<compile_context>
chip_gen: v7x
topology: tpu7x:2x2x1
jax: 0.10.2.dev20260603
libtpu: 0.0.44.dev20260713+nightly
codegen_flags: <defaults>
</compile_context>

<pallas_src>
import functools

import numpy as np
import jax
import jax.numpy as jnp
from jax import lax
from jax.experimental import pallas as pl
from jax.experimental.pallas import tpu as pltpu
from jax.experimental.pallas import tpu_sc as plsc

K = 60
KP = 64
BIG = np.float32(1e10)

SC_CORES = 2
SC_SUBCORES = 16
SC_WORKERS = SC_CORES * SC_SUBCORES


def _knn_qp_body(posr_ref, posrt_ref, posc_ref, batrt_ref, batc_ref,
                 batt_ref, x_ref, w1a_ref, w1b_ref, b1_ref,
                 idx_ref, q_ref, p_ref, d_ref, *, n, r, c):
    i = pl.program_id(0)

    p = jnp.dot(posr_ref[...], w1b_ref[...],
                preferred_element_type=jnp.float32)
    q = jnp.dot(x_ref[...], w1a_ref[...],
                preferred_element_type=jnp.float32) + p + b1_ref[...]
    p_ref[...] = p
    q_ref[...] = q

    batrt = batrt_ref[...]
    rowlane = i * r + lax.broadcasted_iota(jnp.int32, (1, r), 1)

    inf = jnp.full((1, r), jnp.inf, jnp.float32)
    nfull = jnp.full((1, r), n, jnp.int32)

    coln = lax.broadcasted_iota(jnp.int32, (1, n), 1)
    batt = batt_ref[...]
    b_first = batrt_ref[0, 0]
    b_last = batrt_ref[0, r - 1]
    lo = jnp.min(jnp.where(batt == b_first, coln, n))
    hi = jnp.max(jnp.where(batt == b_last, coln, -1)) + 1
    lo_al0 = (lo // c) * c
    nch_w = (hi - lo_al0 + (c - 1)) // c
    nmax = jnp.int32(n - c)

    def make_build_step(lo_base):
        def build_step(ci, carry):
            m0, j0, cnt = carry
            start = jnp.minimum(lo_base + ci * c, nmax)
            sl = pl.ds(ci * c, c)
            src = pl.ds(start, c)
            colc = start + lax.broadcasted_iota(jnp.int32, (c, r), 0)
            dx = posc_ref[src, 0:1] - posrt_ref[0:1, :]
            dy = posc_ref[src, 1:2] - posrt_ref[1:2, :]
            dz = posc_ref[src, 2:3] - posrt_ref[2:3, :]
            d = (dx * dx + dy * dy) + dz * dz
            same = batc_ref[src, 0:1] == batrt
            d = jnp.where((~same) | (colc == rowlane), BIG, d)
            d_ref[sl, :] = d
            cm = jnp.min(d, axis=0, keepdims=True)
            cj = jnp.min(jnp.where(d == cm, colc, n), axis=0, keepdims=True)
            upd = cm < m0
            m0 = jnp.where(upd, cm, m0)
            j0 = jnp.where(upd, cj, j0)
            cnt = cnt + jnp.sum(same.astype(jnp.int32), axis=0,
                                keepdims=True)
            return m0, j0, cnt

        return build_step

    zero_cnt = jnp.zeros((1, r), jnp.int32)
    m0, j0, cnt = lax.fori_loop(0, nch_w, make_build_step(lo_al0),
                                (inf, nfull, zero_cnt))

    degen = jnp.min(cnt) < (K + 1)
    lo_al = jnp.where(degen, 0, lo_al0)
    nch_full = jnp.where(degen, jnp.int32(n // c), 0)
    m0f, j0f, _ = lax.fori_loop(0, nch_full, make_build_step(lo_al),
                                (inf, nfull, zero_cnt))
    m0 = jnp.where(degen, m0f, m0)
    j0 = jnp.where(degen, j0f, j0)
    nch = jnp.where(degen, jnp.int32(n // c), nch_w)

    subl = lax.broadcasted_iota(jnp.int32, (KP, r), 0)
    acc0 = jnp.where(subl == 0, j0,
                     jnp.where(subl >= K, jnp.broadcast_to(rowlane, (KP, r)),
                               0))

    def select_step(t, carry):
        jprev, acc = carry

        def scan_chunk(ci, inner):
            m, j = inner
            start = jnp.minimum(lo_al + ci * c, nmax)
            sl = pl.ds(ci * c, c)
            colc = start + lax.broadcasted_iota(jnp.int32, (c, r), 0)
            d = d_ref[sl, :]
            d = jnp.where(colc == jprev, np.float32(np.inf), d)
            d_ref[sl, :] = d
            cm = jnp.min(d, axis=0, keepdims=True)
            cj = jnp.min(jnp.where(d == cm, colc, n), axis=0, keepdims=True)
            upd = cm < m
            m = jnp.where(upd, cm, m)
            j = jnp.where(upd, cj, j)
            return m, j

        m, j = lax.fori_loop(0, nch, scan_chunk, (inf, nfull))
        acc = jnp.where(subl == t, j, acc)
        return j, acc

    _, accK = lax.fori_loop(1, K, select_step, (j0, acc0))
    idx_ref[...] = accK


def _run_knn_qp(pos, batch_i32, x, w1a, w1b, b1, *, n, h, r, c):
    post = pos.T
    batc = batch_i32.reshape(n, 1)
    batt = batch_i32.reshape(1, n)
    grid = (n // r,)
    kern = pl.pallas_call(
        functools.partial(_knn_qp_body, n=n, r=r, c=c),
        grid=grid,
        in_specs=[
            pl.BlockSpec((r, 3), lambda i: (i, 0)),
            pl.BlockSpec((3, r), lambda i: (0, i)),
            pl.BlockSpec((n, 3), lambda i: (0, 0)),
            pl.BlockSpec((1, r), lambda i: (0, i)),
            pl.BlockSpec((n, 1), lambda i: (0, 0)),
            pl.BlockSpec((1, n), lambda i: (0, 0)),
            pl.BlockSpec((r, x.shape[1]), lambda i: (i, 0)),
            pl.BlockSpec(w1a.shape, lambda i: (0, 0)),
            pl.BlockSpec(w1b.shape, lambda i: (0, 0)),
            pl.BlockSpec((1, h), lambda i: (0, 0)),
        ],
        out_specs=[
            pl.BlockSpec((KP, r), lambda i: (0, i)),
            pl.BlockSpec((r, h), lambda i: (i, 0)),
            pl.BlockSpec((r, h), lambda i: (i, 0)),
        ],
        out_shape=[
            jax.ShapeDtypeStruct((KP, n), jnp.int32),
            jax.ShapeDtypeStruct((n, h), jnp.float32),
            jax.ShapeDtypeStruct((n, h), jnp.float32),
        ],
        scratch_shapes=[pltpu.VMEM((n, r), jnp.float32)],
        compiler_params=pltpu.CompilerParams(
            dimension_semantics=("arbitrary",)),
    )
    return kern(pos, post, pos, batt, batc, batt, x, w1a, w1b,
                b1.reshape(1, h))


def _sc_gather(q, src_flat, *, n, h):
    b = src_flat.shape[0]
    b_per_w = b // SC_WORKERS
    ch = 512
    nch = b_per_w // ch
    mesh = plsc.VectorSubcoreMesh(core_axis_name="c", subcore_axis_name="s")

    @functools.partial(
        pl.kernel,
        mesh=mesh,
        out_type=jax.ShapeDtypeStruct((b, h), jnp.float32),
        scratch_types=[
            pltpu.VMEM((ch,), jnp.int32),
            pltpu.VMEM((ch, h), jnp.float32),
            pltpu.SemaphoreType.DMA,
        ],
    )
    def gather_kernel(table_hbm, idx_hbm, out_hbm, idx_v, rows_v, sem):
        wid = lax.axis_index("s") * SC_CORES + lax.axis_index("c")
        base = wid * b_per_w

        def body(ci, carry):
            off = base + ci * ch
            pltpu.sync_copy(idx_hbm.at[pl.ds(off, ch)], idx_v)
            pltpu.async_copy(table_hbm.at[idx_v], rows_v, sem).wait()
            pltpu.sync_copy(rows_v, out_hbm.at[pl.ds(off, ch)])
            return carry

        lax.fori_loop(0, nch, body, 0)

    return gather_kernel(q, src_flat)


def _mlp_max_body(qe_ref, p_ref, w2_ref, b2_ref, out_ref, *, t, h):
    pre = qe_ref[...] - p_ref[...][None, :, :]
    pre = jnp.maximum(pre, jnp.float32(0.0))
    hm = jnp.dot(pre.reshape(KP * t, h), w2_ref[...],
                 preferred_element_type=jnp.float32)
    hm = jnp.max(hm.reshape(KP, t, h), axis=0)
    out_ref[...] = hm + b2_ref[...]


def _run_mlp_max(qe3, p, w2, b2, *, n, h, t):
    grid = (n // t,)
    kern = pl.pallas_call(
        functools.partial(_mlp_max_body, t=t, h=h),
        grid=grid,
        in_specs=[
            pl.BlockSpec((KP, t, h), lambda i: (0, i, 0)),
            pl.BlockSpec((t, h), lambda i: (i, 0)),
            pl.BlockSpec((h, h), lambda i: (0, 0)),
            pl.BlockSpec((1, h), lambda i: (0, 0)),
        ],
        out_specs=pl.BlockSpec((t, h), lambda i: (i, 0)),
        out_shape=jax.ShapeDtypeStruct((n, h), jnp.float32),
        compiler_params=pltpu.CompilerParams(
            dimension_semantics=("arbitrary",)),
    )
    return kern(qe3, p, w2, b2.reshape(1, h))


def kernel(x, pos, batch, W1, b1, W2, b2):
    n, d = x.shape
    h = W1.shape[1]
    batch_i32 = batch.astype(jnp.int32)
    w1a = W1[:d]
    w1b = W1[d:]

    idx_t, q, p = _run_knn_qp(pos, batch_i32, x, w1a, w1b, b1,
                              n=n, h=h, r=min(256, n), c=min(128, n))

    if n % 2 == 0 and (KP * (n // 2)) % (SC_WORKERS * 512) == 0:
        n2 = n // 2
        halves = []
        for lo_i in (0, n2):
            src_h = idx_t[:, lo_i:lo_i + n2].reshape(-1)
            qe_h = _sc_gather(q, src_h, n=n, h=h)
            halves.append(
                _run_mlp_max(qe_h.reshape(KP, n2, h), p[lo_i:lo_i + n2],
                             W2, b2, n=n2, h=h, t=min(128, n2)))
        out = jnp.concatenate(halves, axis=0)
    else:
        src_flat = idx_t.reshape(-1)
        qe = _sc_gather(q, src_flat, n=n, h=h)
        out = _run_mlp_max(qe.reshape(KP, n, h), p, W2, b2, n=n, h=h,
                           t=min(128, n))

    src = idx_t[:K].T.reshape(-1)
    dst = jnp.broadcast_to(jnp.arange(n, dtype=jnp.int32)[:, None],
                           (n, K)).reshape(-1)
    edge_index = jnp.stack([src, dst])
    return (out, pos, batch, edge_index)

# --- scband reference (transcript-rebuilt; emitter-appended) ---
"""Pipeline reference for scband-point-conv-net4-50397146251473 (READ-ONLY COPY).

The authoritative reference and input builder live on the scoring server;
editing this copy changes nothing except your own understanding.
"""

import jax, jax.numpy as jnp
import numpy as np

N = 8192
D = 64
K = 60
H = 128
NUM_GRAPHS = 8


def setup_inputs(seed: int = 0) -> dict:
    key = jax.random.key(seed)
    k1, k2, k3, k4, k5 = jax.random.split(key, 5)
    x = jax.random.normal(k1, (N, D), dtype=jnp.float32)
    pos = jax.random.normal(k2, (N, 3), dtype=jnp.float32)
    batch = jnp.sort(jax.random.randint(k3, (N,), 0, NUM_GRAPHS)).astype(jnp.int64)
    in_dim = D + 3
    W1 = jax.random.normal(k4, (in_dim, H), dtype=jnp.float32) * (1.0 / np.sqrt(in_dim))
    b1 = jnp.zeros((H,), dtype=jnp.float32)
    W2 = jax.random.normal(k5, (H, H), dtype=jnp.float32) * (1.0 / np.sqrt(H))
    b2 = jnp.zeros((H,), dtype=jnp.float32)
    return {"x": x, "pos": pos, "batch": batch, "W1": W1, "b1": b1, "W2": W2, "b2": b2}


def knn_graph(pos, batch, k):
    # pairwise squared distances, masked across different graphs in the batch
    n = pos.shape[0]
    d = jnp.sum((pos[:, None, :] - pos[None, :, :]) ** 2, axis=-1)
    big = jnp.float32(1e10)
    mask = batch[:, None] != batch[None, :]
    d = jnp.where(mask, big, d)
    d = d.at[jnp.arange(n), jnp.arange(n)].set(big)  # loop=False
    _, idx = jax.lax.top_k(-d, k)  # k nearest neighbors for each target node i
    src = idx.reshape(-1)                      # source = neighbor j
    dst = jnp.repeat(jnp.arange(n), k)         # target = node i (flow source_to_target)
    return jnp.stack([src, dst]).astype(jnp.int64)


def reference(x, pos, batch, W1, b1, W2, b2):
    n = x.shape[0]
    edge_index = knn_graph(pos, batch, K)
    # PyG PointNetConv adds self loops by default
    loop = jnp.arange(n, dtype=jnp.int64)
    src = jnp.concatenate([edge_index[0], loop])
    dst = jnp.concatenate([edge_index[1], loop])
    rel = pos[src] - pos[dst]
    msg_in = jnp.concatenate([x[src], rel], axis=1)
    h = jax.nn.relu(msg_in @ W1 + b1)
    h = h @ W2 + b2
    out = jax.ops.segment_max(h, dst, num_segments=n)
    return (out, pos, batch, edge_index)

if __name__ == "__main__":
    import jax
    _d = setup_inputs()
    print(jax.jit(kernel)(*tuple(_d.values())))

</pallas_src>

<mosaic_0001>
#map = affine_map<(d0, d1) -> (0, 0)>
#map1 = affine_map<(d0, d1) -> (0)>
module attributes {stable_mosaic.version = 14 : i64} {
  func.func @gather_kernel(%arg0: i32, %arg1: i32, %arg2: memref<8192x128xf32, #tpu.memory_space<hbm>>, %arg3: memref<262144xi32, #tpu.memory_space<hbm>>, %arg4: memref<262144x128xf32, #tpu.memory_space<hbm>>, %arg5: memref<512xi32, #tpu.memory_space<vmem>>, %arg6: memref<512x128xf32, #tpu.memory_space<vmem>>, %arg7: memref<!tpu.dma_semaphore, #tpu.memory_space<semaphore_mem>>) attributes {dimension_semantics = [#tpu.dimension_semantics<core_parallel>, #tpu.dimension_semantics<subcore_parallel>], iteration_bounds = array<i64: 2, 16>, scalar_prefetch = 0 : i64, scratch_operands = 3 : i64, tpu.core_type = #tpu.core_type<sc_vector_subcore>, window_params = [{transform_indices = #map}, {transform_indices = #map1}, {transform_indices = #map}]} {
    %mul3A = arith.constant 2 : i32
    %mul3A_0 = arith.muli %arg1, %mul3A : i32
    %add3A = arith.addi %mul3A_0, %arg0 : i32
    %mul3A_1 = arith.constant 8192 : i32
    %mul3A_2 = arith.muli %add3A, %mul3A_1 : i32
    %scan3A = arith.constant 0 : i32
    %scan3A_3 = arith.constant 0 : i32
    %scan3A_4 = arith.constant 16 : i32
    %scan3A_5 = arith.addi %scan3A_3, %scan3A_4 : i32
    %scan3A_6 = arith.constant 1 : i32
    scf.for %scan3A_8 = %scan3A_3 to %scan3A_5 step %scan3A_6  : i32 {
      %mul3A_9 = arith.constant 512 : i32
      %mul3A_10 = arith.muli %scan3A_8, %mul3A_9 : i32
      %add3A_11 = arith.addi %mul3A_2, %mul3A_10 : i32
      "tpu.region"() ({
        %run_scoped3A = tpu.sem_alloc : memref<!tpu.dma_semaphore, #tpu.memory_space<semaphore_mem>>
        %dma_start3A_16 = tpu.memref_slice %arg3[%add3A_11] : memref<262144xi32, #tpu.memory_space<hbm>> -> memref<512xi32, #tpu.memory_space<hbm>>
        %dma_start3A_17 = tpu.memref_slice %arg3[%add3A_11] : memref<262144xi32, #tpu.memory_space<hbm>> -> memref<512xi32, #tpu.memory_space<hbm>>
        tpu.enqueue_dma source(%dma_start3A_17 : memref<512xi32, #tpu.memory_space<hbm>>) target(%arg5 : memref<512xi32, #tpu.memory_space<vmem>>) target_semaphore(%run_scoped3A : memref<!tpu.dma_semaphore, #tpu.memory_space<semaphore_mem>>)
        %dma_wait3A_18 = tpu.memref_slice %arg3[%add3A_11] : memref<262144xi32, #tpu.memory_space<hbm>> -> memref<512xi32, #tpu.memory_space<hbm>>
        %dma_wait3A_19 = tpu.memref_slice %arg3[%add3A_11] : memref<262144xi32, #tpu.memory_space<hbm>> -> memref<512xi32, #tpu.memory_space<hbm>>
        tpu.wait_dma2 semaphore(%run_scoped3A : memref<!tpu.dma_semaphore, #tpu.memory_space<semaphore_mem>>) src(%dma_wait3A_19 : memref<512xi32, #tpu.memory_space<hbm>>) dst(%arg5 : memref<512xi32, #tpu.memory_space<vmem>>)
        tpu.yield
      }) : () -> ()
      %dma_start3A = arith.constant 0 : i32
      %dma_start3A_12 = arith.constant 0 : i32
      %dma_start3A_13 = tpu.memref_slice %arg2[%dma_start3A, %dma_start3A_12] : memref<8192x128xf32, #tpu.memory_space<hbm>> -> memref<8192x128xf32, #tpu.memory_space<hbm>>
      tpu.enqueue_indirect_dma source(%dma_start3A_13 : memref<8192x128xf32, #tpu.memory_space<hbm>>) target(%arg6 : memref<512x128xf32, #tpu.memory_space<vmem>>) offsets(%arg5 : memref<512xi32, #tpu.memory_space<vmem>>) semaphore(%arg7 : memref<!tpu.dma_semaphore, #tpu.memory_space<semaphore_mem>>)
      %dma_wait3A = arith.constant 0 : i32
      %dma_wait3A_14 = arith.constant 0 : i32
      %dma_wait3A_15 = tpu.memref_slice %arg2[%dma_wait3A, %dma_wait3A_14] : memref<8192x128xf32, #tpu.memory_space<hbm>> -> memref<8192x128xf32, #tpu.memory_space<hbm>>
      tpu.wait_indirect_dma semaphore(%arg7 : memref<!tpu.dma_semaphore, #tpu.memory_space<semaphore_mem>>) src(%dma_wait3A_15 : memref<8192x128xf32, #tpu.memory_space<hbm>>) dst(%arg6 : memref<512x128xf32, #tpu.memory_space<vmem>>)
      "tpu.region"() ({
        %run_scoped3A = tpu.sem_alloc : memref<!tpu.dma_semaphore, #tpu.memory_space<semaphore_mem>>
        %dma_start3A_16 = arith.constant 0 : i32
        %dma_start3A_17 = tpu.memref_slice %arg4[%add3A_11, %dma_start3A_16] : memref<262144x128xf32, #tpu.memory_space<hbm>> -> memref<512x128xf32, #tpu.memory_space<hbm>>
        %dma_start3A_18 = arith.constant 0 : i32
        %dma_start3A_19 = tpu.memref_slice %arg4[%add3A_11, %dma_start3A_18] : memref<262144x128xf32, #tpu.memory_space<hbm>> -> memref<512x128xf32, #tpu.memory_space<hbm>>
        tpu.enqueue_dma source(%arg6 : memref<512x128xf32, #tpu.memory_space<vmem>>) target(%dma_start3A_19 : memref<512x128xf32, #tpu.memory_space<hbm>>) target_semaphore(%run_scoped3A : memref<!tpu.dma_semaphore, #tpu.memory_space<semaphore_mem>>)
        %dma_wait3A_20 = arith.constant 0 : i32
        %dma_wait3A_21 = tpu.memref_slice %arg4[%add3A_11, %dma_wait3A_20] : memref<262144x128xf32, #tpu.memory_space<hbm>> -> memref<512x128xf32, #tpu.memory_space<hbm>>
        %dma_wait3A_22 = arith.constant 0 : i32
        %dma_wait3A_23 = tpu.memref_slice %arg4[%add3A_11, %dma_wait3A_22] : memref<262144x128xf32, #tpu.memory_space<hbm>> -> memref<512x128xf32, #tpu.memory_space<hbm>>
        tpu.wait_dma2 semaphore(%run_scoped3A : memref<!tpu.dma_semaphore, #tpu.memory_space<semaphore_mem>>) src(%arg6 : memref<512x128xf32, #tpu.memory_space<vmem>>) dst(%dma_wait3A_23 : memref<512x128xf32, #tpu.memory_space<hbm>>)
        tpu.yield
      }) : () -> ()
    }
    %scan3A_7 = arith.constant 16 : i32
    return
  }
}

#map = affine_map<(d0, d1) -> (0, 0)>
#map1 = affine_map<(d0, d1) -> (0)>
module attributes {stable_mosaic.version = 14 : i64} {
  func.func @gather_kernel(%arg0: i32, %arg1: i32, %arg2: memref<8192x128xf32, #tpu.memory_space<hbm>>, %arg3: memref<262144xi32, #tpu.memory_space<hbm>>, %arg4: memref<262144x128xf32, #tpu.memory_space<hbm>>, %arg5: memref<512xi32, #tpu.memory_space<vmem>>, %arg6: memref<512x128xf32, #tpu.memory_space<vmem>>, %arg7: memref<!tpu.dma_semaphore, #tpu.memory_space<semaphore_mem>>) attributes {dimension_semantics = [#tpu.dimension_semantics<core_parallel>, #tpu.dimension_semantics<subcore_parallel>], iteration_bounds = array<i64: 2, 16>, scalar_prefetch = 0 : i64, scratch_operands = 3 : i64, tpu.core_type = #tpu.core_type<sc_vector_subcore>, window_params = [{transform_indices = #map}, {transform_indices = #map1}, {transform_indices = #map}]} {
    %mul3A = arith.constant 2 : i32
    %mul3A_0 = arith.muli %arg1, %mul3A : i32
    %add3A = arith.addi %mul3A_0, %arg0 : i32
    %mul3A_1 = arith.constant 8192 : i32
    %mul3A_2 = arith.muli %add3A, %mul3A_1 : i32
    %scan3A = arith.constant 0 : i32
    %scan3A_3 = arith.constant 0 : i32
    %scan3A_4 = arith.constant 16 : i32
    %scan3A_5 = arith.addi %scan3A_3, %scan3A_4 : i32
    %scan3A_6 = arith.constant 1 : i32
    scf.for %scan3A_8 = %scan3A_3 to %scan3A_5 step %scan3A_6  : i32 {
      %mul3A_9 = arith.constant 512 : i32
      %mul3A_10 = arith.muli %scan3A_8, %mul3A_9 : i32
      %add3A_11 = arith.addi %mul3A_2, %mul3A_10 : i32
      "tpu.region"() ({
        %run_scoped3A = tpu.sem_alloc : memref<!tpu.dma_semaphore, #tpu.memory_space<semaphore_mem>>
        %dma_start3A_16 = tpu.memref_slice %arg3[%add3A_11] : memref<262144xi32, #tpu.memory_space<hbm>> -> memref<512xi32, #tpu.memory_space<hbm>>
        %dma_start3A_17 = tpu.memref_slice %arg3[%add3A_11] : memref<262144xi32, #tpu.memory_space<hbm>> -> memref<512xi32, #tpu.memory_space<hbm>>
        tpu.enqueue_dma source(%dma_start3A_17 : memref<512xi32, #tpu.memory_space<hbm>>) target(%arg5 : memref<512xi32, #tpu.memory_space<vmem>>) target_semaphore(%run_scoped3A : memref<!tpu.dma_semaphore, #tpu.memory_space<semaphore_mem>>)
        %dma_wait3A_18 = tpu.memref_slice %arg3[%add3A_11] : memref<262144xi32, #tpu.memory_space<hbm>> -> memref<512xi32, #tpu.memory_space<hbm>>
        %dma_wait3A_19 = tpu.memref_slice %arg3[%add3A_11] : memref<262144xi32, #tpu.memory_space<hbm>> -> memref<512xi32, #tpu.memory_space<hbm>>
        tpu.wait_dma2 semaphore(%run_scoped3A : memref<!tpu.dma_semaphore, #tpu.memory_space<semaphore_mem>>) src(%dma_wait3A_19 : memref<512xi32, #tpu.memory_space<hbm>>) dst(%arg5 : memref<512xi32, #tpu.memory_space<vmem>>)
        tpu.yield
      }) : () -> ()
      %dma_start3A = arith.constant 0 : i32
      %dma_start3A_12 = arith.constant 0 : i32
      %dma_start3A_13 = tpu.memref_slice %arg2[%dma_start3A, %dma_start3A_12] : memref<8192x128xf32, #tpu.memory_space<hbm>> -> memref<8192x128xf32, #tpu.memory_space<hbm>>
      tpu.enqueue_indirect_dma source(%dma_start3A_13 : memref<8192x128xf32, #tpu.memory_space<hbm>>) target(%arg6 : memref<512x128xf32, #tpu.memory_space<vmem>>) offsets(%arg5 : memref<512xi32, #tpu.memory_space<vmem>>) semaphore(%arg7 : memref<!tpu.dma_semaphore, #tpu.memory_space<semaphore_mem>>)
      %dma_wait3A = arith.constant 0 : i32
      %dma_wait3A_14 = arith.constant 0 : i32
      %dma_wait3A_15 = tpu.memref_slice %arg2[%dma_wait3A, %dma_wait3A_14] : memref<8192x128xf32, #tpu.memory_space<hbm>> -> memref<8192x128xf32, #tpu.memory_space<hbm>>
      tpu.wait_indirect_dma semaphore(%arg7 : memref<!tpu.dma_semaphore, #tpu.memory_space<semaphore_mem>>) src(%dma_wait3A_15 : memref<8192x128xf32, #tpu.memory_space<hbm>>) dst(%arg6 : memref<512x128xf32, #tpu.memory_space<vmem>>)
      "tpu.region"() ({
        %run_scoped3A = tpu.sem_alloc : memref<!tpu.dma_semaphore, #tpu.memory_space<semaphore_mem>>
        %dma_start3A_16 = arith.constant 0 : i32
        %dma_start3A_17 = tpu.memref_slice %arg4[%add3A_11, %dma_start3A_16] : memref<262144x128xf32, #tpu.memory_space<hbm>> -> memref<512x128xf32, #tpu.memory_space<hbm>>
        %dma_start3A_18 = arith.constant 0 : i32
        %dma_start3A_19 = tpu.memref_slice %arg4[%add3A_11, %dma_start3A_18] : memref<262144x128xf32, #tpu.memory_space<hbm>> -> memref<512x128xf32, #tpu.memory_space<hbm>>
        tpu.enqueue_dma source(%arg6 : memref<512x128xf32, #tpu.memory_space<vmem>>) target(%dma_start3A_19 : memref<512x128xf32, #tpu.memory_space<hbm>>) target_semaphore(%run_scoped3A : memref<!tpu.dma_semaphore, #tpu.memory_space<semaphore_mem>>)
        %dma_wait3A_20 = arith.constant 0 : i32
        %dma_wait3A_21 = tpu.memref_slice %arg4[%add3A_11, %dma_wait3A_20] : memref<262144x128xf32, #tpu.memory_space<hbm>> -> memref<512x128xf32, #tpu.memory_space<hbm>>
        %dma_wait3A_22 = arith.constant 0 : i32
        %dma_wait3A_23 = tpu.memref_slice %arg4[%add3A_11, %dma_wait3A_22] : memref<262144x128xf32, #tpu.memory_space<hbm>> -> memref<512x128xf32, #tpu.memory_space<hbm>>
        tpu.wait_dma2 semaphore(%run_scoped3A : memref<!tpu.dma_semaphore, #tpu.memory_space<semaphore_mem>>) src(%arg6 : memref<512x128xf32, #tpu.memory_space<vmem>>) dst(%dma_wait3A_23 : memref<512x128xf32, #tpu.memory_space<hbm>>)
        tpu.yield
      }) : () -> ()
    }
    %scan3A_7 = arith.constant 16 : i32
    return
  }
}

module attributes {stable_mosaic.version = 14 : i64} {
  func.func @_knn_qp_body(%arg0: i32, %arg1: memref<256x3xf32, #tpu.memory_space<vmem>>, %arg2: memref<3x256xf32, #tpu.memory_space<vmem>>, %arg3: memref<8192x3xf32, #tpu.memory_space<vmem>>, %arg4: memref<1x256xi32, #tpu.memory_space<vmem>>, %arg5: memref<8192x1xi32, #tpu.memory_space<vmem>>, %arg6: memref<1x8192xi32, #tpu.memory_space<vmem>>, %arg7: memref<256x64xf32, #tpu.memory_space<vmem>>, %arg8: memref<64x128xf32, #tpu.memory_space<vmem>>, %arg9: memref<3x128xf32, #tpu.memory_space<vmem>>, %arg10: memref<1x128xf32, #tpu.memory_space<vmem>>, %arg11: memref<64x256xi32, #tpu.memory_space<vmem>>, %arg12: memref<256x128xf32, #tpu.memory_space<vmem>>, %arg13: memref<256x128xf32, #tpu.memory_space<vmem>>, %arg14: memref<8192x256xf32, #tpu.memory_space<vmem>>) attributes {dimension_semantics = [#tpu.dimension_semantics<arbitrary>], iteration_bounds = array<i64: 32>, scalar_prefetch = 0 : i64, scratch_operands = 1 : i64, tpu.core_type = #tpu.core_type<tc>, window_params = [{transform_indices = @transform_0, window_bounds = array<i64: 256, 3>}, {transform_indices = @transform_1, window_bounds = array<i64: 3, 256>}, {pipeline_mode = #tpu.pipeline_mode<synchronous>, transform_indices = @transform_2, window_bounds = array<i64: 8192, 3>}, {transform_indices = @transform_3, window_bounds = array<i64: 1, 256>}, {pipeline_mode = #tpu.pipeline_mode<synchronous>, transform_indices = @transform_4, window_bounds = array<i64: 8192, 1>}, {pipeline_mode = #tpu.pipeline_mode<synchronous>, transform_indices = @transform_5, window_bounds = array<i64: 1, 8192>}, {transform_indices = @transform_6, window_bounds = array<i64: 256, 64>}, {pipeline_mode = #tpu.pipeline_mode<synchronous>, transform_indices = @transform_7, window_bounds = array<i64: 64, 128>}, {pipeline_mode = #tpu.pipeline_mode<synchronous>, transform_indices = @transform_8, window_bounds = array<i64: 3, 128>}, {pipeline_mode = #tpu.pipeline_mode<synchronous>, transform_indices = @transform_9, window_bounds = array<i64: 1, 128>}, {transform_indices = @transform_10, window_bounds = array<i64: 64, 256>}, {transform_indices = @transform_11, window_bounds = array<i64: 256, 128>}, {transform_indices = @transform_12, window_bounds = array<i64: 256, 128>}]} {
    %get3A = arith.constant 0 : index
    %get3A_0 = arith.constant 0 : index
    %get3A_1 = vector.load %arg1[%get3A, %get3A_0] : memref<256x3xf32, #tpu.memory_space<vmem>>, vector<256x3xf32>
    %get3A_2 = arith.constant 0 : index
    %get3A_3 = arith.constant 0 : index
    %get3A_4 = vector.load %arg9[%get3A_2, %get3A_3] : memref<3x128xf32, #tpu.memory_space<vmem>>, vector<3x128xf32>
    %dot_general3A = arith.constant dense<0.000000e+00> : vector<256x128xf32>
    %dot_general3A_5 = tpu.matmul %get3A_1, %get3A_4, %dot_general3A {dimension_numbers = #tpu.dot_dimension_numbers<[1], [0], [0], [1], [0, 0, 1, 1], [], []>, transpose_lhs_hint = false} : vector<256x3xf32>, vector<3x128xf32>, vector<256x128xf32> -> vector<256x128xf32>
    %get3A_6 = arith.constant 0 : index
    %get3A_7 = arith.constant 0 : index
    %get3A_8 = vector.load %arg7[%get3A_6, %get3A_7] : memref<256x64xf32, #tpu.memory_space<vmem>>, vector<256x64xf32>
    %get3A_9 = arith.constant 0 : index
    %get3A_10 = arith.constant 0 : index
    %get3A_11 = vector.load %arg8[%get3A_9, %get3A_10] : memref<64x128xf32, #tpu.memory_space<vmem>>, vector<64x128xf32>
    %dot_general3A_12 = arith.constant dense<0.000000e+00> : vector<256x128xf32>
    %dot_general3A_13 = tpu.matmul %get3A_8, %get3A_11, %dot_general3A_12 {dimension_numbers = #tpu.dot_dimension_numbers<[1], [0], [0], [1], [0, 0, 1, 1], [], []>, transpose_lhs_hint = false} : vector<256x64xf32>, vector<64x128xf32>, vector<256x128xf32> -> vector<256x128xf32>
    %add3A = arith.addf %dot_general3A_13, %dot_general3A_5 : vector<256x128xf32>
    %get3A_14 = arith.constant 0 : index
    %get3A_15 = arith.constant 0 : index
    %get3A_16 = vector.load %arg10[%get3A_14, %get3A_15] : memref<1x128xf32, #tpu.memory_space<vmem>>, vector<1x128xf32>
    %add3A_17 = vector.broadcast %get3A_16 : vector<1x128xf32> to vector<256x128xf32>
    %add3A_18 = arith.addf %add3A, %add3A_17 : vector<256x128xf32>
    %swap3A = arith.constant 0 : index
    %swap3A_19 = arith.constant 0 : index
    %swap3A_20 = vector.load %arg13[%swap3A, %swap3A_19] : memref<256x128xf32, #tpu.memory_space<vmem>>, vector<256x128xf32>
    tpu.vector_store %arg13[%swap3A, %swap3A_19], %dot_general3A_5 {strides = array<i32>} : memref<256x128xf32, #tpu.memory_space<vmem>>, vector<256x128xf32>,
    %swap3A_21 = arith.constant 0 : index
    %swap3A_22 = arith.constant 0 : index
    %swap3A_23 = vector.load %arg12[%swap3A_21, %swap3A_22] : memref<256x128xf32, #tpu.memory_space<vmem>>, vector<256x128xf32>
    tpu.vector_store %arg12[%swap3A_21, %swap3A_22], %add3A_18 {strides = array<i32>} : memref<256x128xf32, #tpu.memory_space<vmem>>, vector<256x128xf32>,
    %get3A_24 = arith.constant 0 : index
    %get3A_25 = arith.constant 0 : index
    %get3A_26 = vector.load %arg4[%get3A_24, %get3A_25] : memref<1x256xi32, #tpu.memory_space<vmem>>, vector<1x256xi32>
    %mul3A = arith.constant 256 : i32
    %mul3A_27 = arith.muli %arg0, %mul3A : i32
    %iota3A = tpu.iota {dimensions = array<i32: 1>} : vector<1x256xi32>
    %add3A_28 = vector.broadcast %mul3A_27 : i32 to vector<1x256xi32>
    %add3A_29 = arith.addi %add3A_28, %iota3A : vector<1x256xi32>
    %broadcast_in_dim3A = arith.constant 0x7F800000 : f32
    %broadcast_in_dim3A_30 = vector.broadcast %broadcast_in_dim3A : f32 to vector<1x256xf32>
    %broadcast_in_dim3A_31 = arith.constant 8192 : i32
    %broadcast_in_dim3A_32 = vector.broadcast %broadcast_in_dim3A_31 : i32 to vector<1x256xi32>
    %iota3A_33 = tpu.iota {dimensions = array<i32: 1>} : vector<1x8192xi32>
    %get3A_34 = arith.constant 0 : index
    %get3A_35 = arith.constant 0 : index
    %get3A_36 = vector.load %arg6[%get3A_34, %get3A_35] : memref<1x8192xi32, #tpu.memory_space<vmem>>, vector<1x8192xi32>
    %get3A_37 = arith.constant 0 : index
    %get3A_38 = arith.constant 0 : index
    %get3A_39 = vector.load %arg4[%get3A_37, %get3A_38] : memref<1x256xi32, #tpu.memory_space<vmem>>, vector<1x1xi32>
    %get3A_40 = vector.extract %get3A_39[0, 0] : i32 from vector<1x1xi32>
    %get3A_41 = arith.constant 0 : index
    %get3A_42 = arith.constant 255 : index
    %get3A_43 = vector.load %arg4[%get3A_41, %get3A_42] : memref<1x256xi32, #tpu.memory_space<vmem>>, vector<1x1xi32>
    %get3A_44 = vector.extract %get3A_43[0, 0] : i32 from vector<1x1xi32>
    %eq3A = vector.broadcast %get3A_40 : i32 to vector<1x8192xi32>
    %eq3A_45 = arith.cmpi eq, %get3A_36, %eq3A : vector<1x8192xi32>
    %jit3A = arith.constant 8192 : i32
    %broadcast_in_dim3A_46 = vector.broadcast %jit3A : i32 to vector<1x8192xi32>
    %select_n3A = arith.select %eq3A_45, %iota3A_33, %broadcast_in_dim3A_46 : vector<1x8192xi1>, vector<1x8192xi32>
    %reduce_min3A = vector.shape_cast %select_n3A : vector<1x8192xi32> to vector<1x1x8192xi32>
    %reduce_min3A_47 = arith.constant dense<2147483647> : vector<1xi32>
    %reduce_min3A_48 = vector.multi_reduction <minsi>, %reduce_min3A, %reduce_min3A_47 [1, 2] : vector<1x1x8192xi32> to vector<1xi32>
    %reduce_min3A_49 = vector.shape_cast %reduce_min3A_48 : vector<1xi32> to vector<1x1x1xi32>
    %reduce_min3A_50 = vector.extract %reduce_min3A_49[0, 0, 0] : i32 from vector<1x1x1xi32>
    %eq3A_51 = vector.broadcast %get3A_44 : i32 to vector<1x8192xi32>
    %eq3A_52 = arith.cmpi eq, %get3A_36, %eq3A_51 : vector<1x8192xi32>
    %jit3A_53 = arith.constant -1 : i32
    %broadcast_in_dim3A_54 = vector.broadcast %jit3A_53 : i32 to vector<1x8192xi32>
    %select_n3A_55 = arith.select %eq3A_52, %iota3A_33, %broadcast_in_dim3A_54 : vector<1x8192xi1>, vector<1x8192xi32>
    %reduce_max3A = vector.shape_cast %select_n3A_55 : vector<1x8192xi32> to vector<1x1x8192xi32>
    %reduce_max3A_56 = arith.constant dense<-2147483648> : vector<1xi32>
    %reduce_max3A_57 = vector.multi_reduction <maxsi>, %reduce_max3A, %reduce_max3A_56 [1, 2] : vector<1x1x8192xi32> to vector<1xi32>
    %reduce_max3A_58 = vector.shape_cast %reduce_max3A_57 : vector<1xi32> to vector<1x1x1xi32>
    %reduce_max3A_59 = vector.extract %reduce_max3A_58[0, 0, 0] : i32 from vector<1x1x1xi32>
    %add3A_60 = arith.constant 1 : i32
    %add3A_61 = arith.addi %reduce_max3A_59, %add3A_60 : i32
    %jit3A_62 = arith.constant 128 : i32
    %div3A = arith.divsi %reduce_min3A_50, %jit3A_62 : i32
    %sign3A = arith.constant 0 : i32
    %sign3A_63 = arith.cmpi sgt, %reduce_min3A_50, %sign3A : i32
    %sign3A_64 = arith.extui %sign3A_63 : i1 to i32
    %sign3A_65 = arith.constant 0 : i32
    %sign3A_66 = arith.cmpi slt, %reduce_min3A_50, %sign3A_65 : i32
    %sign3A_67 = arith.extui %sign3A_66 : i1 to i32
    %sign3A_68 = arith.subi %sign3A_64, %sign3A_67 : i32
    %sign3A_69 = arith.constant 0 : i32
    %sign3A_70 = arith.cmpi sgt, %jit3A_62, %sign3A_69 : i32
    %sign3A_71 = arith.extui %sign3A_70 : i1 to i32
    %sign3A_72 = arith.constant 0 : i32
    %sign3A_73 = arith.cmpi slt, %jit3A_62, %sign3A_72 : i32
    %sign3A_74 = arith.extui %sign3A_73 : i1 to i32
    %sign3A_75 = arith.subi %sign3A_71, %sign3A_74 : i32
    %ne3A = arith.cmpi ne, %sign3A_68, %sign3A_75 : i32
    %rem3A = arith.remsi %reduce_min3A_50, %jit3A_62 : i32
    %ne3A_76 = arith.constant 0 : i32
    %ne3A_77 = arith.cmpi ne, %rem3A, %ne3A_76 : i32
    %and3A = arith.andi %ne3A, %ne3A_77 : i1
    %sub3A = arith.constant 1 : i32
    %sub3A_78 = arith.subi %div3A, %sub3A : i32
    %select_n3A_79 = arith.select %and3A, %sub3A_78, %div3A : i32
    %mul3A_80 = arith.constant 128 : i32
    %mul3A_81 = arith.muli %select_n3A_79, %mul3A_80 : i32
    %sub3A_82 = arith.subi %add3A_61, %mul3A_81 : i32
    %add3A_83 = arith.constant 127 : i32
    %add3A_84 = arith.addi %sub3A_82, %add3A_83 : i32
    %jit3A_85 = arith.constant 128 : i32
    %div3A_86 = arith.divsi %add3A_84, %jit3A_85 : i32
    %sign3A_87 = arith.constant 0 : i32
    %sign3A_88 = arith.cmpi sgt, %add3A_84, %sign3A_87 : i32
    %sign3A_89 = arith.extui %sign3A_88 : i1 to i32
    %sign3A_90 = arith.constant 0 : i32
    %sign3A_91 = arith.cmpi slt, %add3A_84, %sign3A_90 : i32
    %sign3A_92 = arith.extui %sign3A_91 : i1 to i32
    %sign3A_93 = arith.subi %sign3A_89, %sign3A_92 : i32
    %sign3A_94 = arith.constant 0 : i32
    %sign3A_95 = arith.cmpi sgt, %jit3A_85, %sign3A_94 : i32
    %sign3A_96 = arith.extui %sign3A_95 : i1 to i32
    %sign3A_97 = arith.constant 0 : i32
    %sign3A_98 = arith.cmpi slt, %jit3A_85, %sign3A_97 : i32
    %sign3A_99 = arith.extui %sign3A_98 : i1 to i32
    %sign3A_100 = arith.subi %sign3A_96, %sign3A_99 : i32
    %ne3A_101 = arith.cmpi ne, %sign3A_93, %sign3A_100 : i32
    %rem3A_102 = arith.remsi %add3A_84, %jit3A_85 : i32
    %ne3A_103 = arith.constant 0 : i32
    %ne3A_104 = arith.cmpi ne, %rem3A_102, %ne3A_103 : i32
    %and3A_105 = arith.andi %ne3A_101, %ne3A_104 : i1
    %sub3A_106 = arith.constant 1 : i32
    %sub3A_107 = arith.subi %div3A_86, %sub3A_106 : i32
    %select_n3A_108 = arith.select %and3A_105, %sub3A_107, %div3A_86 : i32
    %broadcast_in_dim3A_109 = arith.constant 0 : i32
    %broadcast_in_dim3A_110 = vector.broadcast %broadcast_in_dim3A_109 : i32 to vector<1x256xi32>
    %while3A = arith.constant 8064 : i32
    %while3A_111 = arith.constant 0 : i32
    %while3A_112 = arith.subi %select_n3A_108, %while3A_111 : i32
    %while3A_113 = arith.addi %while3A_111, %while3A_112 : i32
    %while3A_114 = arith.constant 1 : i32
    %while3A_115 = arith.divsi %while3A_112, %while3A_114 : i32
    %while3A_116 = arith.muli %while3A_115, %while3A_114 : i32
    %while3A_117 = arith.addi %while3A_111, %while3A_116 : i32
    %while3A_118 = arith.constant 1 : i32
    %while3A_119:3 = scf.for %while3A_171 = %while3A_111 to %while3A_117 step %while3A_118 iter_args(%while3A_172 = %broadcast_in_dim3A_30, %while3A_173 = %broadcast_in_dim3A_32, %while3A_174 = %broadcast_in_dim3A_110) -> (vector<1x256xf32>, vector<1x256xi32>, vector<1x256xi32>)  : i32 {
      %mul3A_175 = arith.constant 128 : i32
      %mul3A_176 = arith.muli %while3A_171, %mul3A_175 : i32
      %add3A_177 = arith.addi %mul3A_81, %mul3A_176 : i32
      %min3A = arith.minsi %add3A_177, %while3A : i32
      %mul3A_178 = arith.constant 128 : i32
      %mul3A_179 = arith.muli %while3A_171, %mul3A_178 : i32
      %iota3A_180 = tpu.iota {dimensions = array<i32: 0>} : vector<128x256xi32>
      %add3A_181 = vector.broadcast %min3A : i32 to vector<128x256xi32>
      %add3A_182 = arith.addi %add3A_181, %iota3A_180 : vector<128x256xi32>
      %get3A_183 = arith.index_cast %min3A : i32 to index
      %get3A_184 = arith.constant 0 : index
      %get3A_185 = vector.load %arg3[%get3A_183, %get3A_184] : memref<8192x3xf32, #tpu.memory_space<vmem>>, vector<128x1xf32>
      %get3A_186 = arith.constant 0 : index
      %get3A_187 = arith.constant 0 : index
      %get3A_188 = vector.load %arg2[%get3A_186, %get3A_187] : memref<3x256xf32, #tpu.memory_space<vmem>>, vector<1x256xf32>
      %sub3A_189 = vector.broadcast %get3A_185 : vector<128x1xf32> to vector<128x256xf32>
      %sub3A_190 = vector.broadcast %get3A_188 : vector<1x256xf32> to vector<128x256xf32>
      %sub3A_191 = arith.subf %sub3A_189, %sub3A_190 : vector<128x256xf32>
      %get3A_192 = arith.index_cast %min3A : i32 to index
      %get3A_193 = arith.constant 1 : index
      %get3A_194 = vector.load %arg3[%get3A_192, %get3A_193] : memref<8192x3xf32, #tpu.memory_space<vmem>>, vector<128x1xf32>
      %get3A_195 = arith.constant 1 : index
      %get3A_196 = arith.constant 0 : index
      %get3A_197 = vector.load %arg2[%get3A_195, %get3A_196] : memref<3x256xf32, #tpu.memory_space<vmem>>, vector<1x256xf32>
      %sub3A_198 = vector.broadcast %get3A_194 : vector<128x1xf32> to vector<128x256xf32>
      %sub3A_199 = vector.broadcast %get3A_197 : vector<1x256xf32> to vector<128x256xf32>
      %sub3A_200 = arith.subf %sub3A_198, %sub3A_199 : vector<128x256xf32>
      %get3A_201 = arith.index_cast %min3A : i32 to index
      %get3A_202 = arith.constant 2 : index
      %get3A_203 = vector.load %arg3[%get3A_201, %get3A_202] : memref<8192x3xf32, #tpu.memory_space<vmem>>, vector<128x1xf32>
      %get3A_204 = arith.constant 2 : index
      %get3A_205 = arith.constant 0 : index
      %get3A_206 = vector.load %arg2[%get3A_204, %get3A_205] : memref<3x256xf32, #tpu.memory_space<vmem>>, vector<1x256xf32>
      %sub3A_207 = vector.broadcast %get3A_203 : vector<128x1xf32> to vector<128x256xf32>
      %sub3A_208 = vector.broadcast %get3A_206 : vector<1x256xf32> to vector<128x256xf32>
      %sub3A_209 = arith.subf %sub3A_207, %sub3A_208 : vector<128x256xf32>
      %mul3A_210 = arith.mulf %sub3A_191, %sub3A_191 : vector<128x256xf32>
      %mul3A_211 = arith.mulf %sub3A_200, %sub3A_200 : vector<128x256xf32>
      %add3A_212 = arith.addf %mul3A_210, %mul3A_211 : vector<128x256xf32>
      %mul3A_213 = arith.mulf %sub3A_209, %sub3A_209 : vector<128x256xf32>
      %add3A_214 = arith.addf %add3A_212, %mul3A_213 : vector<128x256xf32>
      %get3A_215 = arith.index_cast %min3A : i32 to index
      %get3A_216 = arith.constant 0 : index
      %get3A_217 = vector.load %arg5[%get3A_215, %get3A_216] : memref<8192x1xi32, #tpu.memory_space<vmem>>, vector<128x1xi32>
      %eq3A_218 = vector.broadcast %get3A_217 : vector<128x1xi32> to vector<128x256xi32>
      %eq3A_219 = vector.broadcast %get3A_26 : vector<1x256xi32> to vector<128x256xi32>
      %eq3A_220 = arith.cmpi eq, %eq3A_218, %eq3A_219 : vector<128x256xi32>
      %not3A = arith.constant dense<true> : vector<128x256xi1>
      %not3A_221 = arith.xori %eq3A_220, %not3A : vector<128x256xi1>
      %eq3A_222 = vector.broadcast %add3A_29 : vector<1x256xi32> to vector<128x256xi32>
      %eq3A_223 = arith.cmpi eq, %add3A_182, %eq3A_222 : vector<128x256xi32>
      %or3A = arith.ori %not3A_221, %eq3A_223 : vector<128x256xi1>
      %jit3A_224 = arith.constant 1.000000e+10 : f32
      %broadcast_in_dim3A_225 = vector.broadcast %jit3A_224 : f32 to vector<128x256xf32>
      %select_n3A_226 = arith.select %or3A, %broadcast_in_dim3A_225, %add3A_214 : vector<128x256xi1>, vector<128x256xf32>
      %swap3A_227 = arith.index_cast %mul3A_179 : i32 to index
      %swap3A_228 = arith.constant 0 : index
      %swap3A_229 = vector.load %arg14[%swap3A_227, %swap3A_228] : memref<8192x256xf32, #tpu.memory_space<vmem>>, vector<128x256xf32>
      tpu.vector_store %arg14[%swap3A_227, %swap3A_228], %select_n3A_226 {strides = array<i32>} : memref<8192x256xf32, #tpu.memory_space<vmem>>, vector<128x256xf32>,
      %reduce_min3A_230 = arith.constant dense<0x7F800000> : vector<256xf32>
      %reduce_min3A_231 = vector.multi_reduction <minimumf>, %select_n3A_226, %reduce_min3A_230 [0] : vector<128x256xf32> to vector<256xf32>
      %broadcast_in_dim3A_232 = vector.shape_cast %reduce_min3A_231 : vector<256xf32> to vector<1x256xf32>
      %eq3A_233 = vector.broadcast %broadcast_in_dim3A_232 : vector<1x256xf32> to vector<128x256xf32>
      %eq3A_234 = arith.cmpf oeq, %select_n3A_226, %eq3A_233 : vector<128x256xf32>
      %jit3A_235 = arith.constant 8192 : i32
      %broadcast_in_dim3A_236 = vector.broadcast %jit3A_235 : i32 to vector<128x256xi32>
      %select_n3A_237 = arith.select %eq3A_234, %add3A_182, %broadcast_in_dim3A_236 : vector<128x256xi1>, vector<128x256xi32>
      %reduce_min3A_238 = arith.constant dense<2147483647> : vector<256xi32>
      %reduce_min3A_239 = vector.multi_reduction <minsi>, %select_n3A_237, %reduce_min3A_238 [0] : vector<128x256xi32> to vector<256xi32>
      %broadcast_in_dim3A_240 = vector.shape_cast %reduce_min3A_239 : vector<256xi32> to vector<1x256xi32>
      %lt3A_241 = arith.cmpf olt, %broadcast_in_dim3A_232, %while3A_172 : vector<1x256xf32>
      %select_n3A_242 = arith.select %lt3A_241, %broadcast_in_dim3A_232, %while3A_172 : vector<1x256xi1>, vector<1x256xf32>
      %select_n3A_243 = arith.select %lt3A_241, %broadcast_in_dim3A_240, %while3A_173 : vector<1x256xi1>, vector<1x256xi32>
      %convert_element_type3A = arith.extui %eq3A_220 : vector<128x256xi1> to vector<128x256xi32>
      %reduce_sum3A = arith.constant dense<0> : vector<256xi32>
      %reduce_sum3A_244 = vector.multi_reduction <add>, %convert_element_type3A, %reduce_sum3A [0] : vector<128x256xi32> to vector<256xi32>
      %broadcast_in_dim3A_245 = vector.shape_cast %reduce_sum3A_244 : vector<256xi32> to vector<1x256xi32>
      %add3A_246 = arith.addi %while3A_174, %broadcast_in_dim3A_245 : vector<1x256xi32>
      scf.yield %select_n3A_242, %select_n3A_243, %add3A_246 : vector<1x256xf32>, vector<1x256xi32>, vector<1x256xi32>
    }
    %while3A_120 = arith.constant 1 : i32
    %while3A_121:3 = scf.for %while3A_171 = %while3A_117 to %while3A_113 step %while3A_120 iter_args(%while3A_172 = %while3A_119#0, %while3A_173 = %while3A_119#1, %while3A_174 = %while3A_119#2) -> (vector<1x256xf32>, vector<1x256xi32>, vector<1x256xi32>)  : i32 {
      %mul3A_175 = arith.constant 128 : i32
      %mul3A_176 = arith.muli %while3A_171, %mul3A_175 : i32
      %add3A_177 = arith.addi %mul3A_81, %mul3A_176 : i32
      %min3A = arith.minsi %add3A_177, %while3A : i32
      %mul3A_178 = arith.constant 128 : i32
      %mul3A_179 = arith.muli %while3A_171, %mul3A_178 : i32
      %iota3A_180 = tpu.iota {dimensions = array<i32: 0>} : vector<128x256xi32>
      %add3A_181 = vector.broadcast %min3A : i32 to vector<128x256xi32>
      %add3A_182 = arith.addi %add3A_181, %iota3A_180 : vector<128x256xi32>
      %get3A_183 = arith.index_cast %min3A : i32 to index
      %get3A_184 = arith.constant 0 : index
      %get3A_185 = vector.load %arg3[%get3A_183, %get3A_184] : memref<8192x3xf32, #tpu.memory_space<vmem>>, vector<128x1xf32>
      %get3A_186 = arith.constant 0 : index
      %get3A_187 = arith.constant 0 : index
      %get3A_188 = vector.load %arg2[%get3A_186, %get3A_187] : memref<3x256xf32, #tpu.memory_space<vmem>>, vector<1x256xf32>
      %sub3A_189 = vector.broadcast %get3A_185 : vector<128x1xf32> to vector<128x256xf32>
      %sub3A_190 = vector.broadcast %get3A_188 : vector<1x256xf32> to vector<128x256xf32>
      %sub3A_191 = arith.subf %sub3A_189, %sub3A_190 : vector<128x256xf32>
      %get3A_192 = arith.index_cast %min3A : i32 to index
      %get3A_193 = arith.constant 1 : index
      %get3A_194 = vector.load %arg3[%get3A_192, %get3A_193] : memref<8192x3xf32, #tpu.memory_space<vmem>>, vector<128x1xf32>
      %get3A_195 = arith.constant 1 : index
      %get3A_196 = arith.constant 0 : index
      %get3A_197 = vector.load %arg2[%get3A_195, %get3A_196] : memref<3x256xf32, #tpu.memory_space<vmem>>, vector<1x256xf32>
      %sub3A_198 = vector.broadcast %get3A_194 : vector<128x1xf32> to vector<128x256xf32>
      %sub3A_199 = vector.broadcast %get3A_197 : vector<1x256xf32> to vector<128x256xf32>
      %sub3A_200 = arith.subf %sub3A_198, %sub3A_199 : vector<128x256xf32>
      %get3A_201 = arith.index_cast %min3A : i32 to index
      %get3A_202 = arith.constant 2 : index
      %get3A_203 = vector.load %arg3[%get3A_201, %get3A_202] : memref<8192x3xf32, #tpu.memory_space<vmem>>, vector<128x1xf32>
      %get3A_204 = arith.constant 2 : index
      %get3A_205 = arith.constant 0 : index
      %get3A_206 = vector.load %arg2[%get3A_204, %get3A_205] : memref<3x256xf32, #tpu.memory_space<vmem>>, vector<1x256xf32>
      %sub3A_207 = vector.broadcast %get3A_203 : vector<128x1xf32> to vector<128x256xf32>
      %sub3A_208 = vector.broadcast %get3A_206 : vector<1x256xf32> to vector<128x256xf32>
      %sub3A_209 = arith.subf %sub3A_207, %sub3A_208 : vector<128x256xf32>
      %mul3A_210 = arith.mulf %sub3A_191, %sub3A_191 : vector<128x256xf32>
      %mul3A_211 = arith.mulf %sub3A_200, %sub3A_200 : vector<128x256xf32>
      %add3A_212 = arith.addf %mul3A_210, %mul3A_211 : vector<128x256xf32>
      %mul3A_213 = arith.mulf %sub3A_209, %sub3A_209 : vector<128x256xf32>
      %add3A_214 = arith.addf %add3A_212, %mul3A_213 : vector<128x256xf32>
      %get3A_215 = arith.index_cast %min3A : i32 to index
      %get3A_216 = arith.constant 0 : index
      %get3A_217 = vector.load %arg5[%get3A_215, %get3A_216] : memref<8192x1xi32, #tpu.memory_space<vmem>>, vector<128x1xi32>
      %eq3A_218 = vector.broadcast %get3A_217 : vector<128x1xi32> to vector<128x256xi32>
      %eq3A_219 = vector.broadcast %get3A_26 : vector<1x256xi32> to vector<128x256xi32>
      %eq3A_220 = arith.cmpi eq, %eq3A_218, %eq3A_219 : vector<128x256xi32>
      %not3A = arith.constant dense<true> : vector<128x256xi1>
      %not3A_221 = arith.xori %eq3A_220, %not3A : vector<128x256xi1>
      %eq3A_222 = vector.broadcast %add3A_29 : vector<1x256xi32> to vector<128x256xi32>
      %eq3A_223 = arith.cmpi eq, %add3A_182, %eq3A_222 : vector<128x256xi32>
      %or3A = arith.ori %not3A_221, %eq3A_223 : vector<128x256xi1>
      %jit3A_224 = arith.constant 1.000000e+10 : f32
      %broadcast_in_dim3A_225 = vector.broadcast %jit3A_224 : f32 to vector<128x256xf32>
      %select_n3A_226 = arith.select %or3A, %broadcast_in_dim3A_225, %add3A_214 : vector<128x256xi1>, vector<128x256xf32>
      %swap3A_227 = arith.index_cast %mul3A_179 : i32 to index
      %swap3A_228 = arith.constant 0 : index
      %swap3A_229 = vector.load %arg14[%swap3A_227, %swap3A_228] : memref<8192x256xf32, #tpu.memory_space<vmem>>, vector<128x256xf32>
      tpu.vector_store %arg14[%swap3A_227, %swap3A_228], %select_n3A_226 {strides = array<i32>} : memref<8192x256xf32, #tpu.memory_space<vmem>>, vector<128x256xf32>,
      %reduce_min3A_230 = arith.constant dense<0x7F800000> : vector<256xf32>
      %reduce_min3A_231 = vector.multi_reduction <minimumf>, %select_n3A_226, %reduce_min3A_230 [0] : vector<128x256xf32> to vector<256xf32>
      %broadcast_in_dim3A_232 = vector.shape_cast %reduce_min3A_231 : vector<256xf32> to vector<1x256xf32>
      %eq3A_233 = vector.broadcast %broadcast_in_dim3A_232 : vector<1x256xf32> to vector<128x256xf32>
      %eq3A_234 = arith.cmpf oeq, %select_n3A_226, %eq3A_233 : vector<128x256xf32>
      %jit3A_235 = arith.constant 8192 : i32
      %broadcast_in_dim3A_236 = vector.broadcast %jit3A_235 : i32 to vector<128x256xi32>
      %select_n3A_237 = arith.select %eq3A_234, %add3A_182, %broadcast_in_dim3A_236 : vector<128x256xi1>, vector<128x256xi32>
      %reduce_min3A_238 = arith.constant dense<2147483647> : vector<256xi32>
      %reduce_min3A_239 = vector.multi_reduction <minsi>, %select_n3A_237, %reduce_min3A_238 [0] : vector<128x256xi32> to vector<256xi32>
      %broadcast_in_dim3A_240 = vector.shape_cast %reduce_min3A_239 : vector<256xi32> to vector<1x256xi32>
      %lt3A_241 = arith.cmpf olt, %broadcast_in_dim3A_232, %while3A_172 : vector<1x256xf32>
      %select_n3A_242 = arith.select %lt3A_241, %broadcast_in_dim3A_232, %while3A_172 : vector<1x256xi1>, vector<1x256xf32>
      %select_n3A_243 = arith.select %lt3A_241, %broadcast_in_dim3A_240, %while3A_173 : vector<1x256xi1>, vector<1x256xi32>
      %convert_element_type3A = arith.extui %eq3A_220 : vector<128x256xi1> to vector<128x256xi32>
      %reduce_sum3A = arith.constant dense<0> : vector<256xi32>
      %reduce_sum3A_244 = vector.multi_reduction <add>, %convert_element_type3A, %reduce_sum3A [0] : vector<128x256xi32> to vector<256xi32>
      %broadcast_in_dim3A_245 = vector.shape_cast %reduce_sum3A_244 : vector<256xi32> to vector<1x256xi32>
      %add3A_246 = arith.addi %while3A_174, %broadcast_in_dim3A_245 : vector<1x256xi32>
      scf.yield %select_n3A_242, %select_n3A_243, %add3A_246 : vector<1x256xf32>, vector<1x256xi32>, vector<1x256xi32>
    }
    %reduce_min3A_122 = vector.shape_cast %while3A_121#2 : vector<1x256xi32> to vector<1x1x256xi32>
    %reduce_min3A_123 = arith.constant dense<2147483647> : vector<1xi32>
    %reduce_min3A_124 = vector.multi_reduction <minsi>, %reduce_min3A_122, %reduce_min3A_123 [1, 2] : vector<1x1x256xi32> to vector<1xi32>
    %reduce_min3A_125 = vector.shape_cast %reduce_min3A_124 : vector<1xi32> to vector<1x1x1xi32>
    %reduce_min3A_126 = vector.extract %reduce_min3A_125[0, 0, 0] : i32 from vector<1x1x1xi32>
    %lt3A = arith.constant 61 : i32
    %lt3A_127 = arith.cmpi slt, %reduce_min3A_126, %lt3A : i32
    %jit3A_128 = arith.constant 0 : i32
    %select_n3A_129 = arith.select %lt3A_127, %jit3A_128, %mul3A_81 : i32
    %jit3A_130 = arith.constant 64 : i32
    %jit3A_131 = arith.constant 0 : i32
    %select_n3A_132 = arith.select %lt3A_127, %jit3A_130, %jit3A_131 : i32
    %while3A_133 = arith.constant 8064 : i32
    %while3A_134 = arith.constant 0 : i32
    %while3A_135 = arith.subi %select_n3A_132, %while3A_134 : i32
    %while3A_136 = arith.addi %while3A_134, %while3A_135 : i32
    %while3A_137 = arith.constant 1 : i32
    %while3A_138 = arith.divsi %while3A_135, %while3A_137 : i32
    %while3A_139 = arith.muli %while3A_138, %while3A_137 : i32
    %while3A_140 = arith.addi %while3A_134, %while3A_139 : i32
    %while3A_141 = arith.constant 1 : i32
    %while3A_142:3 = scf.for %while3A_171 = %while3A_134 to %while3A_140 step %while3A_141 iter_args(%while3A_172 = %broadcast_in_dim3A_30, %while3A_173 = %broadcast_in_dim3A_32, %while3A_174 = %broadcast_in_dim3A_110) -> (vector<1x256xf32>, vector<1x256xi32>, vector<1x256xi32>)  : i32 {
      %mul3A_175 = arith.constant 128 : i32
      %mul3A_176 = arith.muli %while3A_171, %mul3A_175 : i32
      %add3A_177 = arith.addi %select_n3A_129, %mul3A_176 : i32
      %min3A = arith.minsi %add3A_177, %while3A_133 : i32
      %mul3A_178 = arith.constant 128 : i32
      %mul3A_179 = arith.muli %while3A_171, %mul3A_178 : i32
      %iota3A_180 = tpu.iota {dimensions = array<i32: 0>} : vector<128x256xi32>
      %add3A_181 = vector.broadcast %min3A : i32 to vector<128x256xi32>
      %add3A_182 = arith.addi %add3A_181, %iota3A_180 : vector<128x256xi32>
      %get3A_183 = arith.index_cast %min3A : i32 to index
      %get3A_184 = arith.constant 0 : index
      %get3A_185 = vector.load %arg3[%get3A_183, %get3A_184] : memref<8192x3xf32, #tpu.memory_space<vmem>>, vector<128x1xf32>
      %get3A_186 = arith.constant 0 : index
      %get3A_187 = arith.constant 0 : index
      %get3A_188 = vector.load %arg2[%get3A_186, %get3A_187] : memref<3x256xf32, #tpu.memory_space<vmem>>, vector<1x256xf32>
      %sub3A_189 = vector.broadcast %get3A_185 : vector<128x1xf32> to vector<128x256xf32>
      %sub3A_190 = vector.broadcast %get3A_188 : vector<1x256xf32> to vector<128x256xf32>
      %sub3A_191 = arith.subf %sub3A_189, %sub3A_190 : vector<128x256xf32>
      %get3A_192 = arith.index_cast %min3A : i32 to index
      %get3A_193 = arith.constant 1 : index
      %get3A_194 = vector.load %arg3[%get3A_192, %get3A_193] : memref<8192x3xf32, #tpu.memory_space<vmem>>, vector<128x1xf32>
      %get3A_195 = arith.constant 1 : index
      %get3A_196 = arith.constant 0 : index
      %get3A_197 = vector.load %arg2[%get3A_195, %get3A_196] : memref<3x256xf32, #tpu.memory_space<vmem>>, vector<1x256xf32>
      %sub3A_198 = vector.broadcast %get3A_194 : vector<128x1xf32> to vector<128x256xf32>
      %sub3A_199 = vector.broadcast %get3A_197 : vector<1x256xf32> to vector<128x256xf32>
      %sub3A_200 = arith.subf %sub3A_198, %sub3A_199 : vector<128x256xf32>
      %get3A_201 = arith.index_cast %min3A : i32 to index
      %get3A_202 = arith.constant 2 : index
      %get3A_203 = vector.load %arg3[%get3A_201, %get3A_202] : memref<8192x3xf32, #tpu.memory_space<vmem>>, vector<128x1xf32>
      %get3A_204 = arith.constant 2 : index
      %get3A_205 = arith.constant 0 : index
      %get3A_206 = vector.load %arg2[%get3A_204, %get3A_205] : memref<3x256xf32, #tpu.memory_space<vmem>>, vector<1x256xf32>
      %sub3A_207 = vector.broadcast %get3A_203 : vector<128x1xf32> to vector<128x256xf32>
      %sub3A_208 = vector.broadcast %get3A_206 : vector<1x256xf32> to vector<128x256xf32>
      %sub3A_209 = arith.subf %sub3A_207, %sub3A_208 : vector<128x256xf32>
      %mul3A_210 = arith.mulf %sub3A_191, %sub3A_191 : vector<128x256xf32>
      %mul3A_211 = arith.mulf %sub3A_200, %sub3A_200 : vector<128x256xf32>
      %add3A_212 = arith.addf %mul3A_210, %mul3A_211 : vector<128x256xf32>
      %mul3A_213 = arith.mulf %sub3A_209, %sub3A_209 : vector<128x256xf32>
      %add3A_214 = arith.addf %add3A_212, %mul3A_213 : vector<128x256xf32>
      %get3A_215 = arith.index_cast %min3A : i32 to index
      %get3A_216 = arith.constant 0 : index
      %get3A_217 = vector.load %arg5[%get3A_215, %get3A_216] : memref<8192x1xi32, #tpu.memory_space<vmem>>, vector<128x1xi32>
      %eq3A_218 = vector.broadcast %get3A_217 : vector<128x1xi32> to vector<128x256xi32>
      %eq3A_219 = vector.broadcast %get3A_26 : vector<1x256xi32> to vector<128x256xi32>
      %eq3A_220 = arith.cmpi eq, %eq3A_218, %eq3A_219 : vector<128x256xi32>
      %not3A = arith.constant dense<true> : vector<128x256xi1>
      %not3A_221 = arith.xori %eq3A_220, %not3A : vector<128x256xi1>
      %eq3A_222 = vector.broadcast %add3A_29 : vector<1x256xi32> to vector<128x256xi32>
      %eq3A_223 = arith.cmpi eq, %add3A_182, %eq3A_222 : vector<128x256xi32>
      %or3A = arith.ori %not3A_221, %eq3A_223 : vector<128x256xi1>
      %jit3A_224 = arith.constant 1.000000e+10 : f32
      %broadcast_in_dim3A_225 = vector.broadcast %jit3A_224 : f32 to vector<128x256xf32>
      %select_n3A_226 = arith.select %or3A, %broadcast_in_dim3A_225, %add3A_214 : vector<128x256xi1>, vector<128x256xf32>
      %swap3A_227 = arith.index_cast %mul3A_179 : i32 to index
      %swap3A_228 = arith.constant 0 : index
      %swap3A_229 = vector.load %arg14[%swap3A_227, %swap3A_228] : memref<8192x256xf32, #tpu.memory_space<vmem>>, vector<128x256xf32>
      tpu.vector_store %arg14[%swap3A_227, %swap3A_228], %select_n3A_226 {strides = array<i32>} : memref<8192x256xf32, #tpu.memory_space<vmem>>, vector<128x256xf32>,
      %reduce_min3A_230 = arith.constant dense<0x7F800000> : vector<256xf32>
      %reduce_min3A_231 = vector.multi_reduction <minimumf>, %select_n3A_226, %reduce_min3A_230 [0] : vector<128x256xf32> to vector<256xf32>
      %broadcast_in_dim3A_232 = vector.shape_cast %reduce_min3A_231 : vector<256xf32> to vector<1x256xf32>
      %eq3A_233 = vector.broadcast %broadcast_in_dim3A_232 : vector<1x256xf32> to vector<128x256xf32>
      %eq3A_234 = arith.cmpf oeq, %select_n3A_226, %eq3A_233 : vector<128x256xf32>
      %jit3A_235 = arith.constant 8192 : i32
      %broadcast_in_dim3A_236 = vector.broadcast %jit3A_235 : i32 to vector<128x256xi32>
      %select_n3A_237 = arith.select %eq3A_234, %add3A_182, %broadcast_in_dim3A_236 : vector<128x256xi1>, vector<128x256xi32>
      %reduce_min3A_238 = arith.constant dense<2147483647> : vector<256xi32>
      %reduce_min3A_239 = vector.multi_reduction <minsi>, %select_n3A_237, %reduce_min3A_238 [0] : vector<128x256xi32> to vector<256xi32>
      %broadcast_in_dim3A_240 = vector.shape_cast %reduce_min3A_239 : vector<256xi32> to vector<1x256xi32>
      %lt3A_241 = arith.cmpf olt, %broadcast_in_dim3A_232, %while3A_172 : vector<1x256xf32>
      %select_n3A_242 = arith.select %lt3A_241, %broadcast_in_dim3A_232, %while3A_172 : vector<1x256xi1>, vector<1x256xf32>
      %select_n3A_243 = arith.select %lt3A_241, %broadcast_in_dim3A_240, %while3A_173 : vector<1x256xi1>, vector<1x256xi32>
      %convert_element_type3A = arith.extui %eq3A_220 : vector<128x256xi1> to vector<128x256xi32>
      %reduce_sum3A = arith.constant dense<0> : vector<256xi32>
      %reduce_sum3A_244 = vector.multi_reduction <add>, %convert_element_type3A, %reduce_sum3A [0] : vector<128x256xi32> to vector<256xi32>
      %broadcast_in_dim3A_245 = vector.shape_cast %reduce_sum3A_244 : vector<256xi32> to vector<1x256xi32>
      %add3A_246 = arith.addi %while3A_174, %broadcast_in_dim3A_245 : vector<1x256xi32>
      scf.yield %select_n3A_242, %select_n3A_243, %add3A_246 : vector<1x256xf32>, vector<1x256xi32>, vector<1x256xi32>
    }
    %while3A_143 = arith.constant 1 : i32
    %while3A_144:3 = scf.for %while3A_171 = %while3A_140 to %while3A_136 step %while3A_143 iter_args(%while3A_172 = %while3A_142#0, %while3A_173 = %while3A_142#1, %while3A_174 = %while3A_142#2) -> (vector<1x256xf32>, vector<1x256xi32>, vector<1x256xi32>)  : i32 {
      %mul3A_175 = arith.constant 128 : i32
      %mul3A_176 = arith.muli %while3A_171, %mul3A_175 : i32
      %add3A_177 = arith.addi %select_n3A_129, %mul3A_176 : i32
      %min3A = arith.minsi %add3A_177, %while3A_133 : i32
      %mul3A_178 = arith.constant 128 : i32
      %mul3A_179 = arith.muli %while3A_171, %mul3A_178 : i32
      %iota3A_180 = tpu.iota {dimensions = array<i32: 0>} : vector<128x256xi32>
      %add3A_181 = vector.broadcast %min3A : i32 to vector<128x256xi32>
      %add3A_182 = arith.addi %add3A_181, %iota3A_180 : vector<128x256xi32>
      %get3A_183 = arith.index_cast %min3A : i32 to index
      %get3A_184 = arith.constant 0 : index
      %get3A_185 = vector.load %arg3[%get3A_183, %get3A_184] : memref<8192x3xf32, #tpu.memory_space<vmem>>, vector<128x1xf32>
      %get3A_186 = arith.constant 0 : index
      %get3A_187 = arith.constant 0 : index
      %get3A_188 = vector.load %arg2[%get3A_186, %get3A_187] : memref<3x256xf32, #tpu.memory_space<vmem>>, vector<1x256xf32>
      %sub3A_189 = vector.broadcast %get3A_185 : vector<128x1xf32> to vector<128x256xf32>
      %sub3A_190 = vector.broadcast %get3A_188 : vector<1x256xf32> to vector<128x256xf32>
      %sub3A_191 = arith.subf %sub3A_189, %sub3A_190 : vector<128x256xf32>
      %get3A_192 = arith.index_cast %min3A : i32 to index
      %get3A_193 = arith.constant 1 : index
      %get3A_194 = vector.load %arg3[%get3A_192, %get3A_193] : memref<8192x3xf32, #tpu.memory_space<vmem>>, vector<128x1xf32>
      %get3A_195 = arith.constant 1 : index
      %get3A_196 = arith.constant 0 : index
      %get3A_197 = vector.load %arg2[%get3A_195, %get3A_196] : memref<3x256xf32, #tpu.memory_space<vmem>>, vector<1x256xf32>
      %sub3A_198 = vector.broadcast %get3A_194 : vector<128x1xf32> to vector<128x256xf32>
      %sub3A_199 = vector.broadcast %get3A_197 : vector<1x256xf32> to vector<128x256xf32>
      %sub3A_200 = arith.subf %sub3A_198, %sub3A_199 : vector<128x256xf32>
      %get3A_201 = arith.index_cast %min3A : i32 to index
      %get3A_202 = arith.constant 2 : index
      %get3A_203 = vector.load %arg3[%get3A_201, %get3A_202] : memref<8192x3xf32, #tpu.memory_space<vmem>>, vector<128x1xf32>
      %get3A_204 = arith.constant 2 : index
      %get3A_205 = arith.constant 0 : index
      %get3A_206 = vector.load %arg2[%get3A_204, %get3A_205] : memref<3x256xf32, #tpu.memory_space<vmem>>, vector<1x256xf32>
      %sub3A_207 = vector.broadcast %get3A_203 : vector<128x1xf32> to vector<128x256xf32>
      %sub3A_208 = vector.broadcast %get3A_206 : vector<1x256xf32> to vector<128x256xf32>
      %sub3A_209 = arith.subf %sub3A_207, %sub3A_208 : vector<128x256xf32>
      %mul3A_210 = arith.mulf %sub3A_191, %sub3A_191 : vector<128x256xf32>
      %mul3A_211 = arith.mulf %sub3A_200, %sub3A_200 : vector<128x256xf32>
      %add3A_212 = arith.addf %mul3A_210, %mul3A_211 : vector<128x256xf32>
      %mul3A_213 = arith.mulf %sub3A_209, %sub3A_209 : vector<128x256xf32>
      %add3A_214 = arith.addf %add3A_212, %mul3A_213 : vector<128x256xf32>
      %get3A_215 = arith.index_cast %min3A : i32 to index
      %get3A_216 = arith.constant 0 : index
      %get3A_217 = vector.load %arg5[%get3A_215, %get3A_216] : memref<8192x1xi32, #tpu.memory_space<vmem>>, vector<128x1xi32>
      %eq3A_218 = vector.broadcast %get3A_217 : vector<128x1xi32> to vector<128x256xi32>
      %eq3A_219 = vector.broadcast %get3A_26 : vector<1x256xi32> to vector<128x256xi32>
      %eq3A_220 = arith.cmpi eq, %eq3A_218, %eq3A_219 : vector<128x256xi32>
      %not3A = arith.constant dense<true> : vector<128x256xi1>
      %not3A_221 = arith.xori %eq3A_220, %not3A : vector<128x256xi1>
      %eq3A_222 = vector.broadcast %add3A_29 : vector<1x256xi32> to vector<128x256xi32>
      %eq3A_223 = arith.cmpi eq, %add3A_182, %eq3A_222 : vector<128x256xi32>
      %or3A = arith.ori %not3A_221, %eq3A_223 : vector<128x256xi1>
      %jit3A_224 = arith.constant 1.000000e+10 : f32
      %broadcast_in_dim3A_225 = vector.broadcast %jit3A_224 : f32 to vector<128x256xf32>
      %select_n3A_226 = arith.select %or3A, %broadcast_in_dim3A_225, %add3A_214 : vector<128x256xi1>, vector<128x256xf32>
      %swap3A_227 = arith.index_cast %mul3A_179 : i32 to index
      %swap3A_228 = arith.constant 0 : index
      %swap3A_229 = vector.load %arg14[%swap3A_227, %swap3A_228] : memref<8192x256xf32, #tpu.memory_space<vmem>>, vector<128x256xf32>
      tpu.vector_store %arg14[%swap3A_227, %swap3A_228], %select_n3A_226 {strides = array<i32>} : memref<8192x256xf32, #tpu.memory_space<vmem>>, vector<128x256xf32>,
      %reduce_min3A_230 = arith.constant dense<0x7F800000> : vector<256xf32>
      %reduce_min3A_231 = vector.multi_reduction <minimumf>, %select_n3A_226, %reduce_min3A_230 [0] : vector<128x256xf32> to vector<256xf32>
      %broadcast_in_dim3A_232 = vector.shape_cast %reduce_min3A_231 : vector<256xf32> to vector<1x256xf32>
      %eq3A_233 = vector.broadcast %broadcast_in_dim3A_232 : vector<1x256xf32> to vector<128x256xf32>
      %eq3A_234 = arith.cmpf oeq, %select_n3A_226, %eq3A_233 : vector<128x256xf32>
      %jit3A_235 = arith.constant 8192 : i32
      %broadcast_in_dim3A_236 = vector.broadcast %jit3A_235 : i32 to vector<128x256xi32>
      %select_n3A_237 = arith.select %eq3A_234, %add3A_182, %broadcast_in_dim3A_236 : vector<128x256xi1>, vector<128x256xi32>
      %reduce_min3A_238 = arith.constant dense<2147483647> : vector<256xi32>
      %reduce_min3A_239 = vector.multi_reduction <minsi>, %select_n3A_237, %reduce_min3A_238 [0] : vector<128x256xi32> to vector<256xi32>
      %broadcast_in_dim3A_240 = vector.shape_cast %reduce_min3A_239 : vector<256xi32> to vector<1x256xi32>
      %lt3A_241 = arith.cmpf olt, %broadcast_in_dim3A_232, %while3A_172 : vector<1x256xf32>
      %select_n3A_242 = arith.select %lt3A_241, %broadcast_in_dim3A_232, %while3A_172 : vector<1x256xi1>, vector<1x256xf32>
      %select_n3A_243 = arith.select %lt3A_241, %broadcast_in_dim3A_240, %while3A_173 : vector<1x256xi1>, vector<1x256xi32>
      %convert_element_type3A = arith.extui %eq3A_220 : vector<128x256xi1> to vector<128x256xi32>
      %reduce_sum3A = arith.constant dense<0> : vector<256xi32>
      %reduce_sum3A_244 = vector.multi_reduction <add>, %convert_element_type3A, %reduce_sum3A [0] : vector<128x256xi32> to vector<256xi32>
      %broadcast_in_dim3A_245 = vector.shape_cast %reduce_sum3A_244 : vector<256xi32> to vector<1x256xi32>
      %add3A_246 = arith.addi %while3A_174, %broadcast_in_dim3A_245 : vector<1x256xi32>
      scf.yield %select_n3A_242, %select_n3A_243, %add3A_246 : vector<1x256xf32>, vector<1x256xi32>, vector<1x256xi32>
    }
    %select_n3A_145 = arith.select %lt3A_127, %while3A_144#1, %while3A_121#1 : vector<1x256xi32>
    %jit3A_146 = arith.constant 64 : i32
    %select_n3A_147 = arith.select %lt3A_127, %jit3A_146, %select_n3A_108 : i32
    %iota3A_148 = tpu.iota {dimensions = array<i32: 0>} : vector<64x256xi32>
    %eq3A_149 = arith.constant 0 : i32
    %eq3A_150 = vector.broadcast %eq3A_149 : i32 to vector<64x256xi32>
    %eq3A_151 = arith.cmpi eq, %iota3A_148, %eq3A_150 : vector<64x256xi32>
    %ge3A = arith.constant 60 : i32
    %ge3A_152 = vector.broadcast %ge3A : i32 to vector<64x256xi32>
    %ge3A_153 = arith.cmpi sge, %iota3A_148, %ge3A_152 : vector<64x256xi32>
    %broadcast_in_dim3A_154 = vector.shape_cast %add3A_29 : vector<1x256xi32> to vector<1x256xi32>
    %broadcast_in_dim3A_155 = vector.broadcast %broadcast_in_dim3A_154 : vector<1x256xi32> to vector<64x256xi32>
    %jit3A_156 = arith.constant 0 : i32
    %broadcast_in_dim3A_157 = vector.broadcast %jit3A_156 : i32 to vector<64x256xi32>
    %select_n3A_158 = arith.select %ge3A_153, %broadcast_in_dim3A_155, %broadcast_in_dim3A_157 : vector<64x256xi1>, vector<64x256xi32>
    %broadcast_in_dim3A_159 = vector.shape_cast %select_n3A_145 : vector<1x256xi32> to vector<1x256xi32>
    %broadcast_in_dim3A_160 = vector.broadcast %broadcast_in_dim3A_159 : vector<1x256xi32> to vector<64x256xi32>
    %select_n3A_161 = arith.select %eq3A_151, %broadcast_in_dim3A_160, %select_n3A_158 : vector<64x256xi1>, vector<64x256xi32>
    %scan3A = arith.constant 8064 : i32
    %scan3A_162 = arith.constant 1 : i32
    %scan3A_163 = arith.constant 59 : i32
    %scan3A_164 = arith.addi %scan3A_162, %scan3A_163 : i32
    %scan3A_165 = arith.constant 1 : i32
    %scan3A_166:2 = scf.for %scan3A_171 = %scan3A_162 to %scan3A_164 step %scan3A_165 iter_args(%scan3A_172 = %select_n3A_145, %scan3A_173 = %select_n3A_161) -> (vector<1x256xi32>, vector<64x256xi32>)  : i32 {
      %while3A_174 = arith.constant 0 : i32
      %while3A_175 = arith.subi %select_n3A_147, %while3A_174 : i32
      %while3A_176 = arith.addi %while3A_174, %while3A_175 : i32
      %while3A_177 = arith.constant 1 : i32
      %while3A_178 = arith.divsi %while3A_175, %while3A_177 : i32
      %while3A_179 = arith.muli %while3A_178, %while3A_177 : i32
      %while3A_180 = arith.addi %while3A_174, %while3A_179 : i32
      %while3A_181 = arith.constant 1 : i32
      %while3A_182:2 = scf.for %while3A_190 = %while3A_174 to %while3A_180 step %while3A_181 iter_args(%while3A_191 = %broadcast_in_dim3A_30, %while3A_192 = %broadcast_in_dim3A_32) -> (vector<1x256xf32>, vector<1x256xi32>)  : i32 {
        %mul3A_193 = arith.constant 128 : i32
        %mul3A_194 = arith.muli %while3A_190, %mul3A_193 : i32
        %add3A_195 = arith.addi %select_n3A_129, %mul3A_194 : i32
        %min3A = arith.minsi %add3A_195, %scan3A : i32
        %mul3A_196 = arith.constant 128 : i32
        %mul3A_197 = arith.muli %while3A_190, %mul3A_196 : i32
        %iota3A_198 = tpu.iota {dimensions = array<i32: 0>} : vector<128x256xi32>
        %add3A_199 = vector.broadcast %min3A : i32 to vector<128x256xi32>
        %add3A_200 = arith.addi %add3A_199, %iota3A_198 : vector<128x256xi32>
        %get3A_201 = arith.index_cast %mul3A_197 : i32 to index
        %get3A_202 = arith.constant 0 : index
        %get3A_203 = vector.load %arg14[%get3A_201, %get3A_202] : memref<8192x256xf32, #tpu.memory_space<vmem>>, vector<128x256xf32>
        %eq3A_204 = vector.broadcast %scan3A_172 : vector<1x256xi32> to vector<128x256xi32>
        %eq3A_205 = arith.cmpi eq, %add3A_200, %eq3A_204 : vector<128x256xi32>
        %jit3A_206 = arith.constant 0x7F800000 : f32
        %broadcast_in_dim3A_207 = vector.broadcast %jit3A_206 : f32 to vector<128x256xf32>
        %select_n3A_208 = arith.select %eq3A_205, %broadcast_in_dim3A_207, %get3A_203 : vector<128x256xi1>, vector<128x256xf32>
        %swap3A_209 = arith.index_cast %mul3A_197 : i32 to index
        %swap3A_210 = arith.constant 0 : index
        %swap3A_211 = vector.load %arg14[%swap3A_209, %swap3A_210] : memref<8192x256xf32, #tpu.memory_space<vmem>>, vector<128x256xf32>
        tpu.vector_store %arg14[%swap3A_209, %swap3A_210], %select_n3A_208 {strides = array<i32>} : memref<8192x256xf32, #tpu.memory_space<vmem>>, vector<128x256xf32>,
        %reduce_min3A_212 = arith.constant dense<0x7F800000> : vector<256xf32>
        %reduce_min3A_213 = vector.multi_reduction <minimumf>, %select_n3A_208, %reduce_min3A_212 [0] : vector<128x256xf32> to vector<256xf32>
        %broadcast_in_dim3A_214 = vector.shape_cast %reduce_min3A_213 : vector<256xf32> to vector<1x256xf32>
        %eq3A_215 = vector.broadcast %broadcast_in_dim3A_214 : vector<1x256xf32> to vector<128x256xf32>
        %eq3A_216 = arith.cmpf oeq, %select_n3A_208, %eq3A_215 : vector<128x256xf32>
        %jit3A_217 = arith.constant 8192 : i32
        %broadcast_in_dim3A_218 = vector.broadcast %jit3A_217 : i32 to vector<128x256xi32>
        %select_n3A_219 = arith.select %eq3A_216, %add3A_200, %broadcast_in_dim3A_218 : vector<128x256xi1>, vector<128x256xi32>
        %reduce_min3A_220 = arith.constant dense<2147483647> : vector<256xi32>
        %reduce_min3A_221 = vector.multi_reduction <minsi>, %select_n3A_219, %reduce_min3A_220 [0] : vector<128x256xi32> to vector<256xi32>
        %broadcast_in_dim3A_222 = vector.shape_cast %reduce_min3A_221 : vector<256xi32> to vector<1x256xi32>
        %lt3A_223 = arith.cmpf olt, %broadcast_in_dim3A_214, %while3A_191 : vector<1x256xf32>
        %select_n3A_224 = arith.select %lt3A_223, %broadcast_in_dim3A_214, %while3A_191 : vector<1x256xi1>, vector<1x256xf32>
        %select_n3A_225 = arith.select %lt3A_223, %broadcast_in_dim3A_222, %while3A_192 : vector<1x256xi1>, vector<1x256xi32>
        scf.yield %select_n3A_224, %select_n3A_225 : vector<1x256xf32>, vector<1x256xi32>
      }
      %while3A_183 = arith.constant 1 : i32
      %while3A_184:2 = scf.for %while3A_190 = %while3A_180 to %while3A_176 step %while3A_183 iter_args(%while3A_191 = %while3A_182#0, %while3A_192 = %while3A_182#1) -> (vector<1x256xf32>, vector<1x256xi32>)  : i32 {
        %mul3A_193 = arith.constant 128 : i32
        %mul3A_194 = arith.muli %while3A_190, %mul3A_193 : i32
        %add3A_195 = arith.addi %select_n3A_129, %mul3A_194 : i32
        %min3A = arith.minsi %add3A_195, %scan3A : i32
        %mul3A_196 = arith.constant 128 : i32
        %mul3A_197 = arith.muli %while3A_190, %mul3A_196 : i32
        %iota3A_198 = tpu.iota {dimensions = array<i32: 0>} : vector<128x256xi32>
        %add3A_199 = vector.broadcast %min3A : i32 to vector<128x256xi32>
        %add3A_200 = arith.addi %add3A_199, %iota3A_198 : vector<128x256xi32>
        %get3A_201 = arith.index_cast %mul3A_197 : i32 to index
        %get3A_202 = arith.constant 0 : index
        %get3A_203 = vector.load %arg14[%get3A_201, %get3A_202] : memref<8192x256xf32, #tpu.memory_space<vmem>>, vector<128x256xf32>
        %eq3A_204 = vector.broadcast %scan3A_172 : vector<1x256xi32> to vector<128x256xi32>
        %eq3A_205 = arith.cmpi eq, %add3A_200, %eq3A_204 : vector<128x256xi32>
        %jit3A_206 = arith.constant 0x7F800000 : f32
        %broadcast_in_dim3A_207 = vector.broadcast %jit3A_206 : f32 to vector<128x256xf32>
        %select_n3A_208 = arith.select %eq3A_205, %broadcast_in_dim3A_207, %get3A_203 : vector<128x256xi1>, vector<128x256xf32>
        %swap3A_209 = arith.index_cast %mul3A_197 : i32 to index
        %swap3A_210 = arith.constant 0 : index
        %swap3A_211 = vector.load %arg14[%swap3A_209, %swap3A_210] : memref<8192x256xf32, #tpu.memory_space<vmem>>, vector<128x256xf32>
        tpu.vector_store %arg14[%swap3A_209, %swap3A_210], %select_n3A_208 {strides = array<i32>} : memref<8192x256xf32, #tpu.memory_space<vmem>>, vector<128x256xf32>,
        %reduce_min3A_212 = arith.constant dense<0x7F800000> : vector<256xf32>
        %reduce_min3A_213 = vector.multi_reduction <minimumf>, %select_n3A_208, %reduce_min3A_212 [0] : vector<128x256xf32> to vector<256xf32>
        %broadcast_in_dim3A_214 = vector.shape_cast %reduce_min3A_213 : vector<256xf32> to vector<1x256xf32>
        %eq3A_215 = vector.broadcast %broadcast_in_dim3A_214 : vector<1x256xf32> to vector<128x256xf32>
        %eq3A_216 = arith.cmpf oeq, %select_n3A_208, %eq3A_215 : vector<128x256xf32>
        %jit3A_217 = arith.constant 8192 : i32
        %broadcast_in_dim3A_218 = vector.broadcast %jit3A_217 : i32 to vector<128x256xi32>
        %select_n3A_219 = arith.select %eq3A_216, %add3A_200, %broadcast_in_dim3A_218 : vector<128x256xi1>, vector<128x256xi32>
        %reduce_min3A_220 = arith.constant dense<2147483647> : vector<256xi32>
        %reduce_min3A_221 = vector.multi_reduction <minsi>, %select_n3A_219, %reduce_min3A_220 [0] : vector<128x256xi32> to vector<256xi32>
        %broadcast_in_dim3A_222 = vector.shape_cast %reduce_min3A_221 : vector<256xi32> to vector<1x256xi32>
        %lt3A_223 = arith.cmpf olt, %broadcast_in_dim3A_214, %while3A_191 : vector<1x256xf32>
        %select_n3A_224 = arith.select %lt3A_223, %broadcast_in_dim3A_214, %while3A_191 : vector<1x256xi1>, vector<1x256xf32>
        %select_n3A_225 = arith.select %lt3A_223, %broadcast_in_dim3A_222, %while3A_192 : vector<1x256xi1>, vector<1x256xi32>
        scf.yield %select_n3A_224, %select_n3A_225 : vector<1x256xf32>, vector<1x256xi32>
      }
      %eq3A_185 = vector.broadcast %scan3A_171 : i32 to vector<64x256xi32>
      %eq3A_186 = arith.cmpi eq, %iota3A_148, %eq3A_185 : vector<64x256xi32>
      %broadcast_in_dim3A_187 = vector.shape_cast %while3A_184#1 : vector<1x256xi32> to vector<1x256xi32>
      %broadcast_in_dim3A_188 = vector.broadcast %broadcast_in_dim3A_187 : vector<1x256xi32> to vector<64x256xi32>
      %select_n3A_189 = arith.select %eq3A_186, %broadcast_in_dim3A_188, %scan3A_173 : vector<64x256xi1>, vector<64x256xi32>
      scf.yield %while3A_184#1, %select_n3A_189 : vector<1x256xi32>, vector<64x256xi32>
    }
    %scan3A_167 = arith.constant 59 : i32
    %swap3A_168 = arith.constant 0 : index
    %swap3A_169 = arith.constant 0 : index
    %swap3A_170 = vector.load %arg11[%swap3A_168, %swap3A_169] : memref<64x256xi32, #tpu.memory_space<vmem>>, vector<64x256xi32>
    tpu.vector_store %arg11[%swap3A_168, %swap3A_169], %scan3A_166#1 {strides = array<i32>} : memref<64x256xi32, #tpu.memory_space<vmem>>, vector<64x256xi32>,
    return
  }
  func.func @transform_0(%arg0: i32) -> (i32, i32) {
    %c0_i32 = arith.constant 0 : i32
    %c0_i32_0 = arith.constant 0 : i32
    return %arg0, %c0_i32 : i32, i32
  }
  func.func @transform_1(%arg0: i32) -> (i32, i32) {
    %c0_i32 = arith.constant 0 : i32
    %c0_i32_0 = arith.constant 0 : i32
    return %c0_i32, %arg0 : i32, i32
  }
  func.func @transform_2(%arg0: i32) -> (i32, i32) {
    %c0_i32 = arith.constant 0 : i32
    %c0_i32_0 = arith.constant 0 : i32
    %c0_i32_1 = arith.constant 0 : i32
    return %c0_i32, %c0_i32_0 : i32, i32
  }
  func.func @transform_3(%arg0: i32) -> (i32, i32) {
    %c0_i32 = arith.constant 0 : i32
    %c0_i32_0 = arith.constant 0 : i32
    return %c0_i32, %arg0 : i32, i32
  }
  func.func @transform_4(%arg0: i32) -> (i32, i32) {
    %c0_i32 = arith.constant 0 : i32
    %c0_i32_0 = arith.constant 0 : i32
    %c0_i32_1 = arith.constant 0 : i32
    return %c0_i32, %c0_i32_0 : i32, i32
  }
  func.func @transform_5(%arg0: i32) -> (i32, i32) {
    %c0_i32 = arith.constant 0 : i32
    %c0_i32_0 = arith.constant 0 : i32
    %c0_i32_1 = arith.constant 0 : i32
    return %c0_i32, %c0_i32_0 : i32, i32
  }
  func.func @transform_6(%arg0: i32) -> (i32, i32) {
    %c0_i32 = arith.constant 0 : i32
    %c0_i32_0 = arith.constant 0 : i32
    return %arg0, %c0_i32 : i32, i32
  }
  func.func @transform_7(%arg0: i32) -> (i32, i32) {
    %c0_i32 = arith.constant 0 : i32
    %c0_i32_0 = arith.constant 0 : i32
    %c0_i32_1 = arith.constant 0 : i32
    return %c0_i32, %c0_i32_0 : i32, i32
  }
  func.func @transform_8(%arg0: i32) -> (i32, i32) {
    %c0_i32 = arith.constant 0 : i32
    %c0_i32_0 = arith.constant 0 : i32
    %c0_i32_1 = arith.constant 0 : i32
    return %c0_i32, %c0_i32_0 : i32, i32
  }
  func.func @transform_9(%arg0: i32) -> (i32, i32) {
    %c0_i32 = arith.constant 0 : i32
    %c0_i32_0 = arith.constant 0 : i32
    %c0_i32_1 = arith.constant 0 : i32
    return %c0_i32, %c0_i32_0 : i32, i32
  }
  func.func @transform_10(%arg0: i32) -> (i32, i32) {
    %c0_i32 = arith.constant 0 : i32
    %c0_i32_0 = arith.constant 0 : i32
    return %c0_i32, %arg0 : i32, i32
  }
  func.func @transform_11(%arg0: i32) -> (i32, i32) {
    %c0_i32 = arith.constant 0 : i32
    %c0_i32_0 = arith.constant 0 : i32
    return %arg0, %c0_i32 : i32, i32
  }
  func.func @transform_12(%arg0: i32) -> (i32, i32) {
    %c0_i32 = arith.constant 0 : i32
    %c0_i32_0 = arith.constant 0 : i32
    return %arg0, %c0_i32 : i32, i32
  }
}

module attributes {stable_mosaic.version = 14 : i64} {
  func.func @_mlp_max_body(%arg0: i32, %arg1: memref<64x128x128xf32, #tpu.memory_space<vmem>>, %arg2: memref<128x128xf32, #tpu.memory_space<vmem>>, %arg3: memref<128x128xf32, #tpu.memory_space<vmem>>, %arg4: memref<1x128xf32, #tpu.memory_space<vmem>>, %arg5: memref<128x128xf32, #tpu.memory_space<vmem>>) attributes {dimension_semantics = [#tpu.dimension_semantics<arbitrary>], iteration_bounds = array<i64: 32>, scalar_prefetch = 0 : i64, scratch_operands = 0 : i64, tpu.core_type = #tpu.core_type<tc>, window_params = [{transform_indices = @transform_0, window_bounds = array<i64: 64, 128, 128>}, {transform_indices = @transform_1, window_bounds = array<i64: 128, 128>}, {pipeline_mode = #tpu.pipeline_mode<synchronous>, transform_indices = @transform_2, window_bounds = array<i64: 128, 128>}, {pipeline_mode = #tpu.pipeline_mode<synchronous>, transform_indices = @transform_3, window_bounds = array<i64: 1, 128>}, {transform_indices = @transform_4, window_bounds = array<i64: 128, 128>}]} {
    %get3A = arith.constant 0 : index
    %get3A_0 = arith.constant 0 : index
    %get3A_1 = arith.constant 0 : index
    %get3A_2 = vector.load %arg1[%get3A, %get3A_0, %get3A_1] : memref<64x128x128xf32, #tpu.memory_space<vmem>>, vector<64x128x128xf32>
    %get3A_3 = arith.constant 0 : index
    %get3A_4 = arith.constant 0 : index
    %get3A_5 = vector.load %arg2[%get3A_3, %get3A_4] : memref<128x128xf32, #tpu.memory_space<vmem>>, vector<128x128xf32>
    %broadcast_in_dim3A = vector.shape_cast %get3A_5 : vector<128x128xf32> to vector<1x128x128xf32>
    %sub3A = vector.broadcast %broadcast_in_dim3A : vector<1x128x128xf32> to vector<64x128x128xf32>
    %sub3A_6 = arith.subf %get3A_2, %sub3A : vector<64x128x128xf32>
    %max3A = arith.constant 0.000000e+00 : f32
    %max3A_7 = vector.broadcast %max3A : f32 to vector<64x128x128xf32>
    %max3A_8 = arith.maximumf %sub3A_6, %max3A_7 : vector<64x128x128xf32>
    %reshape3A = vector.shape_cast %max3A_8 : vector<64x128x128xf32> to vector<8192x128xf32>
    %get3A_9 = arith.constant 0 : index
    %get3A_10 = arith.constant 0 : index
    %get3A_11 = vector.load %arg3[%get3A_9, %get3A_10] : memref<128x128xf32, #tpu.memory_space<vmem>>, vector<128x128xf32>
    %dot_general3A = arith.constant dense<0.000000e+00> : vector<8192x128xf32>
    %dot_general3A_12 = tpu.matmul %reshape3A, %get3A_11, %dot_general3A {dimension_numbers = #tpu.dot_dimension_numbers<[1], [0], [0], [1], [0, 0, 1, 1], [], []>, transpose_lhs_hint = false} : vector<8192x128xf32>, vector<128x128xf32>, vector<8192x128xf32> -> vector<8192x128xf32>
    %reshape3A_13 = vector.shape_cast %dot_general3A_12 : vector<8192x128xf32> to vector<64x128x128xf32>
    %reduce_max3A = arith.constant dense<0xFF800000> : vector<128x128xf32>
    %reduce_max3A_14 = vector.multi_reduction <maximumf>, %reshape3A_13, %reduce_max3A [0] : vector<64x128x128xf32> to vector<128x128xf32>
    %get3A_15 = arith.constant 0 : index
    %get3A_16 = arith.constant 0 : index
    %get3A_17 = vector.load %arg4[%get3A_15, %get3A_16] : memref<1x128xf32, #tpu.memory_space<vmem>>, vector<1x128xf32>
    %add3A = vector.broadcast %get3A_17 : vector<1x128xf32> to vector<128x128xf32>
    %add3A_18 = arith.addf %reduce_max3A_14, %add3A : vector<128x128xf32>
    %swap3A = arith.constant 0 : index
    %swap3A_19 = arith.constant 0 : index
    %swap3A_20 = vector.load %arg5[%swap3A, %swap3A_19] : memref<128x128xf32, #tpu.memory_space<vmem>>, vector<128x128xf32>
    tpu.vector_store %arg5[%swap3A, %swap3A_19], %add3A_18 {strides = array<i32>} : memref<128x128xf32, #tpu.memory_space<vmem>>, vector<128x128xf32>,
    return
  }
  func.func @transform_0(%arg0: i32) -> (i32, i32, i32) {
    %c0_i32 = arith.constant 0 : i32
    %c0_i32_0 = arith.constant 0 : i32
    %c0_i32_1 = arith.constant 0 : i32
    return %c0_i32, %arg0, %c0_i32_0 : i32, i32, i32
  }
  func.func @transform_1(%arg0: i32) -> (i32, i32) {
    %c0_i32 = arith.constant 0 : i32
    %c0_i32_0 = arith.constant 0 : i32
    return %arg0, %c0_i32 : i32, i32
  }
  func.func @transform_2(%arg0: i32) -> (i32, i32) {
    %c0_i32 = arith.constant 0 : i32
    %c0_i32_0 = arith.constant 0 : i32
    %c0_i32_1 = arith.constant 0 : i32
    return %c0_i32, %c0_i32_0 : i32, i32
  }
  func.func @transform_3(%arg0: i32) -> (i32, i32) {
    %c0_i32 = arith.constant 0 : i32
    %c0_i32_0 = arith.constant 0 : i32
    %c0_i32_1 = arith.constant 0 : i32
    return %c0_i32, %c0_i32_0 : i32, i32
  }
  func.func @transform_4(%arg0: i32) -> (i32, i32) {
    %c0_i32 = arith.constant 0 : i32
    %c0_i32_0 = arith.constant 0 : i32
    return %arg0, %c0_i32 : i32, i32
  }
}

</mosaic_0001>

<sc_bundles>
// kernel: kernel.10.cloned.1.call-start
scs
__scs_entry_jumppad:
0x0: {  	(pc) =	sbr.rel $0x88, $3  }
0x1: {  	(tag) =	ssettag $0x0;
	lr =	simm.s32 $0x1  }
0x2: {  	[smem:$0x3F9A] =	sst lr;
	_ =	strace $0xD0000000  }
0x3: {  	_ = 	snop  }
0x4: {  	_ = 	snop  }
0x5: {  	_ = 	snop  }
0x6: {  	_ = 	snop  }
0x7: {  	_ = 	snop  }
__scs_overlays_trampoline_lowered:
0x8: {  	[smem:$0x3FA9] =	sst s0  }
0x9: {  	[smem:$0x3FAA] =	sst s1  }
0xa: {  	[smem:$0x3FAB] =	sst s2  }
0xb: {  	[smem:$0x3FAC] =	sst s3  }
0xc: {  	[smem:$0x3FAD] =	sst s4  }
0xd: {  	[smem:$0x3FAE] =	sst s5  }
0xe: {  	[smem:$0x3FAF] =	sst s6  }
0xf: {  	[smem:$0x3FB0] =	sst s7  }
0x10: {  	[smem:$0x3FB1] =	sst s8  }
0x11: {  	[smem:$0x3FB2] =	sst s9;
	s0 =	simm.s32 @!p0 $0x0  }
0x12: {  	s1 =	sld [smem:$0x3F98];
	s0 =	simm.s32 @p0 $0x1  }
0x13: {  	[smem:$0x3FB3] =	sst s0;
	s0 =	simm.s32 @!p1 $0x0  }
0x14: {  	s2 =	sld [smem:$0x3F97];
	s0 =	simm.s32 @p1 $0x1  }
0x15: {  	[smem:$0x3FB4] =	sst s0;
	s0 =	simm.s32 @!p2 $0x0  }
0x16: {  	s3 =	sld [smem:$0x3FDB];
	s0 =	simm.s32 @p2 $0x1  }
0x17: {  	s4 =	simm.s32 $0x1BF5;
	[smem:$0x3FB6] =	sst s0  }
0x18: {  	s0 =	sld [smem:$0x3F99];
	_ =	swait.ge [sflag:s4], $0x0  }
0x19: {  	s7 =	sld [smem:$0x3F9A]  }
0x1a: {  	s8 =	sadd.s32 $0xFFFFE003, lr  }
0x1b: {  	s9 =	sadd.s32 $0xFFFFFEF7, lr;
	s5 =	simm.s32 $0xFFFFFFFF;
	p2 =	slt.u32 s8, $0xFFFFF086  }
0x1c: {  	p1 =	slt.u32 s9, $0xF7A;
	s5 =	simm.s32 @!p2 $0x0  }
0x1d: {  	s5 =	simm.s32 @p1 $0x1;
	p0 =	seq.s32 s7, s2  }
0x1e: {  	s7 =	smul.u32 @!p0 $0xF7A, s2;
	p2 =	seq.s32 @!p0 s5, $0x0  }
0x1f: {  	s9 =	smul.u32 $0xF7A, s1;
	s8 =	simm.s32 @!p0 $0x1BF5;
	p2 =	por !p2, p0  }
0x20: {  	[sflag:s8] =	ssyncset.s32 @!p0 $0xFFFFF086;
	s6 =	sadd.s32 @!p0 s3, s7;
	s7 =	simm.s32 @!p0 $0x108  }
0x21: {  	s3 =	sadd.s32 s3, s9;
	s6 =	sadd.s32 @!p0 $0x88, s6;
	s7 =	simm.s32 @p2 $0x1082  }
0x22: {  	[simem:s7], [sflag:s8] =	dma.local @!p0 [hbm:s6], $0xF7A  }
0x23: {  	s9 =	sor.u32 $0xD0000000, s2;
	s6 =	simm.s32 $0x108;
	_ =	swait.ge @!p0 [sflag:s8], $0x0  }
0x24: {  	s3 =	sadd.s32 $0x88, s3;
	s6 =	simm.s32 @!p1 $0x1082;
	[sflag:s4] =	ssyncset.s32 $0xFFFFF086  }
0x25: {  	[simem:s6], [sflag:s4] =	dma.local [hbm:s3], $0xF7A  }
0x26: {  	[smem:$0x3F9A] =	sst s1;
	(tag) =	ssettag s2;
	_ =	strace s9  }
0x27: {  	s1 =	sld [smem:$0x3FAA]  }
0x28: {  	s2 =	sld [smem:$0x3FAB]  }
0x29: {  	s4 =	sld [smem:$0x3FAD]  }
0x2a: {  	p0 =	seq.s32 s5, $0x0;
	s5 =	sld [smem:$0x3FAE]  }
0x2b: {  	s6 =	sld [smem:$0x3FAF]  }
0x2c: {  	s7 =	sld [smem:$0x3FB0]  }
0x2d: {  	s3 =	simm.s32 $0x108;
	s8 =	sld [smem:$0x3FB1]  }
0x2e: {  	s3 =	simm.s32 @!p0 $0x1082;
	s9 =	sld [smem:$0x3FB2]  }
0x2f: {  	lr =	sadd.s32 s0, s3;
	s0 =	sld [smem:$0x3FA9]  }
0x30: {  	s3 =	sld [smem:$0x3FAC]  }
0x31: {  	[smem:$0x3FB5] =	sst s10  }
0x32: {  	s10 =	sld [smem:$0x3FB3];
	_ =	sdelay $0x3  }
0x33: {  	p0 =	seq.s32 s10, $0x1;
	s10 =	sld [smem:$0x3FB5];
	_ =	sdelay $0x3  }
0x34: {  	[smem:$0x3FB5] =	sst s10  }
0x35: {  	s10 =	sld [smem:$0x3FB4];
	_ =	sdelay $0x3  }
0x36: {  	p1 =	seq.s32 s10, $0x1;
	s10 =	sld [smem:$0x3FB5];
	_ =	sdelay $0x3  }
0x37: {  	[smem:$0x3FB5] =	sst s10  }
0x38: {  	s10 =	sld [smem:$0x3FB6]  }
0x39: {  	_ = 	snop;
	(pc) =	sbr.ind lr, $3  }
0x3a: {  	_ = 	snop  }
0x3b: {  	_ = 	snop  }
0x3c: {  	p2 =	seq.s32 s10, $0x1;
	s10 =	sld [smem:$0x3FB5]  }
0x3d: {  	_ =	shalt  }
0x3e: {  	_ =	shalt  }
0x3f: {  	_ =	shalt  }
0x40: {  	_ =	shalt  }
0x41: {  	_ =	shalt  }
0x42: {  	_ =	shalt  }
0x43: {  	_ =	shalt  }
0x44: {  	_ =	shalt  }
0x45: {  	_ =	shalt  }
0x46: {  	_ =	shalt  }
0x47: {  	_ =	shalt  }
0x48: {  	_ =	shalt  }
0x49: {  	_ =	shalt  }
0x4a: {  	_ =	shalt  }
0x4b: {  	_ =	shalt  }
0x4c: {  	_ =	shalt  }
0x4d: {  	_ =	shalt  }
0x4e: {  	_ =	shalt  }
0x4f: {  	_ =	shalt  }
0x50: {  	_ =	shalt  }
0x51: {  	_ =	shalt  }
0x52: {  	_ =	shalt  }
0x53: {  	_ =	shalt  }
0x54: {  	_ =	shalt  }
0x55: {  	_ =	shalt  }
0x56: {  	_ =	shalt  }
0x57: {  	_ =	shalt  }
0x58: {  	_ =	shalt  }
0x59: {  	_ =	shalt  }
0x5a: {  	_ =	shalt  }
0x5b: {  	_ =	shalt  }
0x5c: {  	_ =	shalt  }
0x5d: {  	_ =	shalt  }
0x5e: {  	_ =	shalt  }
0x5f: {  	_ =	shalt  }
0x60: {  	_ =	shalt  }
0x61: {  	_ =	shalt  }
0x62: {  	_ =	shalt  }
0x63: {  	_ =	shalt  }
0x64: {  	_ =	shalt  }
0x65: {  	_ =	shalt  }
0x66: {  	_ =	shalt  }
0x67: {  	_ =	shalt  }
0x68: {  	_ =	shalt  }
0x69: {  	_ =	shalt  }
0x6a: {  	_ =	shalt  }
0x6b: {  	_ =	shalt  }
0x6c: {  	_ =	shalt  }
0x6d: {  	_ =	shalt  }
0x6e: {  	_ =	shalt  }
0x6f: {  	_ =	shalt  }
0x70: {  	_ =	shalt  }
0x71: {  	_ =	shalt  }
0x72: {  	_ =	shalt  }
0x73: {  	_ =	shalt  }
0x74: {  	_ =	shalt  }
0x75: {  	_ =	shalt  }
0x76: {  	_ =	shalt  }
0x77: {  	_ =	shalt  }
0x78: {  	_ =	shalt  }
0x79: {  	_ =	shalt  }
0x7a: {  	_ =	shalt  }
0x7b: {  	_ =	shalt  }
0x7c: {  	_ =	shalt  }
0x7d: {  	_ =	shalt  }
0x7e: {  	_ =	shalt  }
0x7f: {  	_ =	shalt  }
0x80: {  	_ =	shalt  }
0x81: {  	_ =	shalt  }
0x82: {  	_ =	shalt  }
0x83: {  	_ =	shalt  }
0x84: {  	_ =	shalt  }
0x85: {  	_ =	shalt  }
0x86: {  	_ =	shalt  }
0x87: {  	_ =	shalt  }
.Lfunc_end0:
.L_simem_size_0:
called_computation.1_lowered:
.L_overlay_start_0:
0x88: {  	s2 =	sld [smem:$0x3FD9]  }
0x89: {  	s3 =	sld [smem:$0x3FFE];
	_ =	sdelay $0x1  }
0x8a: {  	s1 =	srdreg.scid  }
0x8b: {  	s0 =	sand.u32 $0x1, s1  }
0x8c: {  	s14 =	sshll.u32 s0, $0xA;
	s2 =	sadd.s32 s3, s2  }
0x8d: {  	s2 =	sadd.s32 s2, s14  }
0x8e: {  	[smem:$0x3FC1] =	sst s2  }
0x8f: {  	_ = 	snop  }
0x90: {  	s2 =	sld [smem:$0x3FD0];
	_ =	sdelay $0x2  }
0x91: {  	s15 =	simm.s32 $0xB;
	s4 =	simm.s32 $0x10  }
0x92: {  	[smem:s4], [sflag:s15] =	dma.local [hbm:s2], $0x1  }
0x93: {  	_ =	swait.eq [sflag:s15], $0x1  }
0x94: {  	[sflag:s15] =	ssyncset.done $0x0  }
0x95: {  	[sflag:s15] =	ssyncadd.s32 $0xFFFFFFFF  }
0x96: {  	s16 =	sld [smem:$0x10];
	(tm) =	ssettm $0x1  }
0x97: {  	s17 =	sld [smem:$0x3FFB];
	_ =	sdelay $0x3  }
0x98: {  	_ =	strace s17  }
0x99: {  	s3 =	sld [smem:$0x3FFC];
	_ =	sdelay $0x3  }
0x9a: {  	_ =	strace s3  }
0x9b: {  	s3 =	sld [smem:$0x3FFD];
	_ =	sdelay $0x3  }
0x9c: {  	_ =	strace s3  }
0x9d: {  	_ =	strace $0x8FFFFFFF  }
0x9e: {  	s18 =	sld [smem:$0x3FDB];
	_ =	sdelay $0x1  }
0x9f: {  	s19 =	simm.s32 $_scs_section_size  }
0xa0: {  	s5 =	simm.s32 $_size__tile_overlayer_lowered;
	s6 =	simm.s32 $_tile_overlayer_lowered  }
0xa1: {  	s22 =	simm.s32 $0x1BFF;
	s21 =	sshll.u32 s6, $0x1;
	s3 =	sadd.s32 s19, s18  }
0xa2: {  	s7 =	simm.s32 $0x0;
	s20 =	sshll.u32 s5, $0x1;
	s5 =	sadd.s32 s21, s3  }
0xa3: {  	[timem:s7], [sflag:s22] =	dma.local [hbm:s5], s20  }
0xa4: {  	_ =	swait.ge [sflag:s22], s20  }
0xa5: {  	s4 =	ssub.s32 $0x0, s20;
	[sflag:s22] =	ssyncset.done $0x0  }
0xa6: {  	[sflag:s22] =	ssyncadd.s32 s4;
	_ =	sdelay $0x1  }
0xa7: {  	s23 =	simm.s32 $0x1B8B  }
0xa8: {  	_ =	swait.ge [sflag:s23], $0x1  }
0xa9: {  	[sflag:s23] =	ssyncset.done $0x0  }
0xaa: {  	s25 =	simm.s32 $0x1B8E;
	s24 =	sld [smem:$0x3FFE];
	[sflag:s23] =	ssyncadd.s32 $0xFFFFFFFF  }
0xab: {  	s26 =	simm.s32 $execute0_lowered;
	[smem:$0x3FD2] =	sst s25  }
0xac: {  	s5 =	sshll.u32 s26, $0x1;
	_ =	strace $0x80000046;
	[dreg:$0x1] =	wrdreg $0xFFFFFFFF  }
0xad: {  	s28 =	simm.s32 $_size_execute0_lowered;
	s3 =	sadd.s32 s3, s5;
	[dreg:$0x0] =	wrdreg $0x0  }
0xae: {  	s5 =	sshll.u32 s28, $0x1;
	[dreg:$0x2] =	wrdreg s3  }
0xaf: {  	[dreg:$0x3] =	wrdreg s5  }
0xb0: {  	[dreg:$0x4] =	wrdreg $0xC0  }
0xb1: {  	_ =	task [dreg:s7], $0x5FFFF  }
0xb2: {  	[dreg:$0x1] =	wrdreg $0xFFFFFFFF  }
0xb3: {  	[dreg:$0x0] =	wrdreg $0x60  }
0xb4: {  	[dreg:$0x2] =	wrdreg s16  }
0xb5: {  	[dreg:$0x3] =	wrdreg s24  }
0xb6: {  	[dreg:$0x4] =	wrdreg $0xA  }
0xb7: {  	_ =	task.clear_ibuf [dreg:s7], $0x5FFFF;
	_ =	strace $0x90000046  }
0xb8: {  	s29 =	simm.s32 $0xA;
	_ =	strace $0x80000048  }
0xb9: {  	_ =	swait.ge [sflag:s29], $0x1  }
0xba: {  	[sflag:s29] =	ssyncadd.s32 $0xFFFFFFFF  }
0xbb: {  	_ =	strace $0x90000048  }
0xbc: {  	_ =	sfence  }
0xbd: {  	s30 =	sld [smem:$0x0];
	_ =	sdelay $0x2  }
0xbe: {  	s31 =	sshll.u32 s1, $0xD;
	s1 =	sshrl.u32 s1, $0x2  }
0xbf: {  	s3 =	sand.u32 $0x4000, s31;
	s1 =	sadd.s32 s1, s30  }
0xc0: {  	s0 =	sor.u32 s3, s0;
	s1 =	sshll.u32 s1, $0x11  }
0xc1: {  	s0 =	sor.u32 s1, s0  }
0xc2: {  	s0 =	sadd.s32 $0x8F2B, s0  }
0xc3: {  	[sflag:s0] =	ssyncadd.remote.s32 $0x1  }
0xc4: {  	_ =	sfence.sel $0xFFFF  }
0xc5: {  	[dreg:$0x0] =	wrdreg $0xFFFFFFFF;
	(pc) =	sbr.abs _section_cstart, $3  }
0xc6: {  	[dreg:$0x1] =	wrdreg $0xFFFFFFFF  }
0xc7: {  	_ =	task.clear_ibuf [dreg:s7], $0x2FFFF;
	_ =	strace $0x9FFFFFFF  }
0xc8: {  	(tm) =	ssettm $0x7FFFFFFF  }
0xc9: {  	_ =	shalt  }
tec
execute0_lowered:
.L_overlay_start_1:
0x0: {  	(tag) =	ssettag $0x1  }
0x1: {  	s1 =	rddreg [dreg:$0x0]  }
0x2: {  	s4 =	rddreg [dreg:$0x1]  }
0x3: {  	s0 =	rddreg [dreg:$0x2];
	s5 =	srdreg.scid  }
0x4: {  	s3 =	simm.s32 $0x0;
	s2 =	stileid.u32;
	s10 =	simm.s32 $0x0  }
0x5: {  	s5 =	sand.u32 $0x1, s5;
	[smem:$0x7FF] =	sst s3;
	s6 =	sshll.u32 s2, $0xE  }
0x6: {  	s8 =	sshll.u32 s2, $0x12;
	s7 =	sshll.u32 s5, $0xD;
	_ =	strace $0x80000047  }
0x7: {  	s31 =	ssub.s32 $0x2, s5;
	s8 =	sadd.s32 s8, s4;
	s5 =	sshll.u32 s5, $0x11  }
0x8: {  	s6 =	sor.u32 s7, s6;
	s9 =	sshrl.u32 s31, $0x1;
	s5 =	sadd.s32 s5, s8  }
0x9: {  	s8 =	simm.s32 $0x200;
	s6 =	sshrl.u32 s6, $0x3;
	s7 =	ssub.s32 s31, s9  }
0xa: {  	s5 =	sadd.s32 $0x32800, s5;
	s9 =	simm.s32 $0x1;
	s6 =	sadd.s32 s6, s4  }
0xb: {  	s4 =	smax.u32 s7, $0x1;
	s7 =	simm.s32 $0x2;
	s6 =	sadd.s32 $0x2A800, s6  }
.LBB2_1:
0xc: {  	s11 =	sadd.s32 $0x0, s6  }
0xd: {  	[tilespmem:s3], [sflag:$0x2] =	stream.linear.gather [hbm4b:s11+s3], $0x200, $0x38;
	[tilespmem:$0x10200] =	vst v63  }
0xe: {  	_ =	swait.ge [sflag:s7], $0x200  }
0xf: {  	[sflag:s7] =	ssyncset.done $0x0  }
0x10: {  	[sflag:s7] =	ssyncadd.s32 $0xFFFFFE00  }
0x11: {  	[tilespmem:s8], [sflag:$0x1] =	stream.indirect.gather [hbm4b:s1+s8], $0x80, s3, s8, $0xb8;
	[tilespmem:$0x10200] =	vst v63  }
0x12: {  	_ =	swait.ge [sflag:s9], $0x10000  }
0x13: {  	[sflag:s9] =	ssyncset.done $0x0  }
0x14: {  	[sflag:s9] =	ssyncadd.s32 $0xFFFF0000  }
0x15: {  	[hbm4b:s5+s3] =	stream.linear.scatter [tilespmem:s8], [sflag:$0x2], $0x10000, $0x38;
	[tilespmem:$0x10200] =	vst v63  }
0x16: {  	s12 =	simm.s32 $0x40;
	_ =	swait.ge [sflag:s7], $0x10000  }
0x17: {  	s13 =	simm.s32 $0x80;
	s11 =	sadd.s32 $0x2000, s5;
	[sflag:s7] =	ssyncset.done $0x0  }
.LBB2_2:
0x18: {  	s14 =	sadd.s32 s12, s6  }
0x19: {  	[sflag:s7] =	ssyncadd.s32 $0xFFFF0000;
	s12 =	smov.u32 s13;
	s15 =	sadd.s32 $0x40, s13  }
0x1a: {  	[tilespmem:s3], [sflag:$0x2] =	stream.linear.gather [hbm4b:s14+s3], $0x200, $0x38;
	[tilespmem:$0x10200] =	vst v63  }
0x1b: {  	p0 =	sne.s32 s13, $0x3C0;
	_ =	swait.ge [sflag:s7], $0x200  }
0x1c: {  	[sflag:s7] =	ssyncset.done $0x0  }
0x1d: {  	[sflag:s7] =	ssyncadd.s32 $0xFFFFFE00  }
0x1e: {  	[tilespmem:s8], [sflag:$0x1] =	stream.indirect.gather [hbm4b:s1+s8], $0x80, s3, s8, $0xb8;
	[tilespmem:$0x10200] =	vst v63  }
0x1f: {  	_ =	swait.ge [sflag:s9], $0x10000  }
.Ltmp0:
0x20: {  	[sflag:s9] =	ssyncset.done $0x0;
	(pc) =	sbr.rel @p0 .LBB2_2-.Ltmp0, $4  }
0x21: {  	[sflag:s9] =	ssyncadd.s32 $0xFFFF0000  }
0x22: {  	[hbm4b:s11+s3] =	stream.linear.scatter [tilespmem:s8], [sflag:$0x2], $0x10000, $0x38;
	[tilespmem:$0x10200] =	vst v63  }
0x23: {  	_ =	swait.ge [sflag:s7], $0x10000  }
0x24: {  	s13 =	smov.u32 s15;
	s11 =	sadd.s32 $0x2000, s11;
	[sflag:s7] =	ssyncset.done $0x0  }
0x25: {  	s12 =	sadd.s32 s12, s6;
	[sflag:s7] =	ssyncadd.s32 $0xFFFF0000  }
0x26: {  	[tilespmem:s3], [sflag:$0x2] =	stream.linear.gather [hbm4b:s12+s3], $0x200, $0x38;
	[tilespmem:$0x10200] =	vst v63  }
0x27: {  	_ =	swait.ge [sflag:s7], $0x200  }
0x28: {  	[sflag:s7] =	ssyncset.done $0x0  }
0x29: {  	[sflag:s7] =	ssyncadd.s32 $0xFFFFFE00  }
0x2a: {  	[tilespmem:s8], [sflag:$0x1] =	stream.indirect.gather [hbm4b:s1+s8], $0x80, s3, s8, $0xb8;
	[tilespmem:$0x10200] =	vst v63  }
0x2b: {  	s10 =	sadd.s32 $0x1, s10;
	_ =	swait.ge [sflag:s9], $0x10000  }
0x2c: {  	p0 =	sne.s32 s10, s4;
	[sflag:s9] =	ssyncset.done $0x0  }
.Ltmp1:
0x2d: {  	[sflag:s9] =	ssyncadd.s32 $0xFFFF0000;
	(pc) =	sbr.rel @p0 .LBB2_1-.Ltmp1, $4  }
0x2e: {  	[hbm4b:s11+s3] =	stream.linear.scatter [tilespmem:s8], [sflag:$0x2], $0x10000, $0x38;
	[tilespmem:$0x10200] =	vst v63  }
0x2f: {  	_ =	swait.ge [sflag:s7], $0x10000  }
0x30: {  	[sflag:s7] =	ssyncset.done $0x0  }
0x31: {  	[sflag:s7] =	ssyncadd.s32 $0xFFFF0000  }
0x32: {  	_ =	sfence.sel $0x180000  }
0x33: {  	[bflag:$0x0] =	sbarrier.arrive $0xFFFF  }
0x34: {  	p0 =	sne.s32 s2, $0x0;
	_ =	strace $0x90000047  }
0x35: {  	s0 =	sadd.s32 @!p0 $0x100000, s0;
	[bflag:$0x2] =	sbarrier.arrive $0xFFFF  }
0x36: {  	[sflag:s0] =	ssyncadd.tile.s32 @!p0 $0x1;
	_ =	shalt  }
.Lfunc_end2:
_tile_overlayer_lowered:
.L_overlay_start_2:
0x37: {  	(tag) =	ssettag $0x2  }
0x38: {  	s0 =	rddreg [dreg:$0x0];
	s2 =	stileid.u32  }
0x39: {  	s1 =	rddreg [dreg:$0x1];
	p0 =	sne.s32 s2, $0x0  }
0x3a: {  	s3 =	rddreg [dreg:$0x2];
	[bflag:$0x3] =	sbarrier.arrive $0xFFFF;
	s2 =	simm.s32 @!p0 $0x1C02  }
0x3b: {  	[timem:s3], [sflag:s2] =	dma.local @!p0 [hbm:s0], s1  }
0x3c: {  	s0 =	simm.s32 @!p0 $0x2  }
0x3d: {  	_ =	swait.ge @!p0 [sflag:s0], s1  }
0x3e: {  	s1 =	ssub.s32 @!p0 $0x0, s1;
	[sflag:s0] =	ssyncset.done @!p0 $0x0  }
0x3f: {  	[sflag:s0] =	ssyncadd.s32 @!p0 s1  }
0x40: {  	[bflag:$0x3] =	sbarrier.arrive $0xFFFF  }
0x41: {  	_ =	shalt  }

// kernel: kernel.7.cloned.1.call-start
scs
__scs_entry_jumppad:
0x0: {  	(pc) =	sbr.rel $0x88, $3  }
0x1: {  	(tag) =	ssettag $0x0;
	lr =	simm.s32 $0x1  }
0x2: {  	[smem:$0x3F9A] =	sst lr;
	_ =	strace $0xD0000000  }
0x3: {  	_ = 	snop  }
0x4: {  	_ = 	snop  }
0x5: {  	_ = 	snop  }
0x6: {  	_ = 	snop  }
0x7: {  	_ = 	snop  }
__scs_overlays_trampoline_lowered:
0x8: {  	[smem:$0x3FA9] =	sst s0  }
0x9: {  	[smem:$0x3FAA] =	sst s1  }
0xa: {  	[smem:$0x3FAB] =	sst s2  }
0xb: {  	[smem:$0x3FAC] =	sst s3  }
0xc: {  	[smem:$0x3FAD] =	sst s4  }
0xd: {  	[smem:$0x3FAE] =	sst s5  }
0xe: {  	[smem:$0x3FAF] =	sst s6  }
0xf: {  	[smem:$0x3FB0] =	sst s7  }
0x10: {  	[smem:$0x3FB1] =	sst s8  }
0x11: {  	[smem:$0x3FB2] =	sst s9;
	s0 =	simm.s32 @!p0 $0x0  }
0x12: {  	s1 =	sld [smem:$0x3F98];
	s0 =	simm.s32 @p0 $0x1  }
0x13: {  	[smem:$0x3FB3] =	sst s0;
	s0 =	simm.s32 @!p1 $0x0  }
0x14: {  	s2 =	sld [smem:$0x3F97];
	s0 =	simm.s32 @p1 $0x1  }
0x15: {  	[smem:$0x3FB4] =	sst s0;
	s0 =	simm.s32 @!p2 $0x0  }
0x16: {  	s3 =	sld [smem:$0x3FDB];
	s0 =	simm.s32 @p2 $0x1  }
0x17: {  	s4 =	simm.s32 $0x1BF5;
	[smem:$0x3FB6] =	sst s0  }
0x18: {  	s0 =	sld [smem:$0x3F99];
	_ =	swait.ge [sflag:s4], $0x0  }
0x19: {  	s7 =	sld [smem:$0x3F9A]  }
0x1a: {  	s8 =	sadd.s32 $0xFFFFE003, lr  }
0x1b: {  	s9 =	sadd.s32 $0xFFFFFEF7, lr;
	s5 =	simm.s32 $0xFFFFFFFF;
	p2 =	slt.u32 s8, $0xFFFFF086  }
0x1c: {  	p1 =	slt.u32 s9, $0xF7A;
	s5 =	simm.s32 @!p2 $0x0  }
0x1d: {  	s5 =	simm.s32 @p1 $0x1;
	p0 =	seq.s32 s7, s2  }
0x1e: {  	s7 =	smul.u32 @!p0 $0xF7A, s2;
	p2 =	seq.s32 @!p0 s5, $0x0  }
0x1f: {  	s9 =	smul.u32 $0xF7A, s1;
	s8 =	simm.s32 @!p0 $0x1BF5;
	p2 =	por !p2, p0  }
0x20: {  	[sflag:s8] =	ssyncset.s32 @!p0 $0xFFFFF086;
	s6 =	sadd.s32 @!p0 s3, s7;
	s7 =	simm.s32 @!p0 $0x108  }
0x21: {  	s3 =	sadd.s32 s3, s9;
	s6 =	sadd.s32 @!p0 $0x88, s6;
	s7 =	simm.s32 @p2 $0x1082  }
0x22: {  	[simem:s7], [sflag:s8] =	dma.local @!p0 [hbm:s6], $0xF7A  }
0x23: {  	s9 =	sor.u32 $0xD0000000, s2;
	s6 =	simm.s32 $0x108;
	_ =	swait.ge @!p0 [sflag:s8], $0x0  }
0x24: {  	s3 =	sadd.s32 $0x88, s3;
	s6 =	simm.s32 @!p1 $0x1082;
	[sflag:s4] =	ssyncset.s32 $0xFFFFF086  }
0x25: {  	[simem:s6], [sflag:s4] =	dma.local [hbm:s3], $0xF7A  }
0x26: {  	[smem:$0x3F9A] =	sst s1;
	(tag) =	ssettag s2;
	_ =	strace s9  }
0x27: {  	s1 =	sld [smem:$0x3FAA]  }
0x28: {  	s2 =	sld [smem:$0x3FAB]  }
0x29: {  	s4 =	sld [smem:$0x3FAD]  }
0x2a: {  	p0 =	seq.s32 s5, $0x0;
	s5 =	sld [smem:$0x3FAE]  }
0x2b: {  	s6 =	sld [smem:$0x3FAF]  }
0x2c: {  	s7 =	sld [smem:$0x3FB0]  }
0x2d: {  	s3 =	simm.s32 $0x108;
	s8 =	sld [smem:$0x3FB1]  }
0x2e: {  	s3 =	simm.s32 @!p0 $0x1082;
	s9 =	sld [smem:$0x3FB2]  }
0x2f: {  	lr =	sadd.s32 s0, s3;
	s0 =	sld [smem:$0x3FA9]  }
0x30: {  	s3 =	sld [smem:$0x3FAC]  }
0x31: {  	[smem:$0x3FB5] =	sst s10  }
0x32: {  	s10 =	sld [smem:$0x3FB3];
	_ =	sdelay $0x3  }
0x33: {  	p0 =	seq.s32 s10, $0x1;
	s10 =	sld [smem:$0x3FB5];
	_ =	sdelay $0x3  }
0x34: {  	[smem:$0x3FB5] =	sst s10  }
0x35: {  	s10 =	sld [smem:$0x3FB4];
	_ =	sdelay $0x3  }
0x36: {  	p1 =	seq.s32 s10, $0x1;
	s10 =	sld [smem:$0x3FB5];
	_ =	sdelay $0x3  }
0x37: {  	[smem:$0x3FB5] =	sst s10  }
0x38: {  	s10 =	sld [smem:$0x3FB6]  }
0x39: {  	_ = 	snop;
	(pc) =	sbr.ind lr, $3  }
0x3a: {  	_ = 	snop  }
0x3b: {  	_ = 	snop  }
0x3c: {  	p2 =	seq.s32 s10, $0x1;
	s10 =	sld [smem:$0x3FB5]  }
0x3d: {  	_ =	shalt  }
0x3e: {  	_ =	shalt  }
0x3f: {  	_ =	shalt  }
0x40: {  	_ =	shalt  }
0x41: {  	_ =	shalt  }
0x42: {  	_ =	shalt  }
0x43: {  	_ =	shalt  }
0x44: {  	_ =	shalt  }
0x45: {  	_ =	shalt  }
0x46: {  	_ =	shalt  }
0x47: {  	_ =	shalt  }
0x48: {  	_ =	shalt  }
0x49: {  	_ =	shalt  }
0x4a: {  	_ =	shalt  }
0x4b: {  	_ =	shalt  }
0x4c: {  	_ =	shalt  }
0x4d: {  	_ =	shalt  }
0x4e: {  	_ =	shalt  }
0x4f: {  	_ =	shalt  }
0x50: {  	_ =	shalt  }
0x51: {  	_ =	shalt  }
0x52: {  	_ =	shalt  }
0x53: {  	_ =	shalt  }
0x54: {  	_ =	shalt  }
0x55: {  	_ =	shalt  }
0x56: {  	_ =	shalt  }
0x57: {  	_ =	shalt  }
0x58: {  	_ =	shalt  }
0x59: {  	_ =	shalt  }
0x5a: {  	_ =	shalt  }
0x5b: {  	_ =	shalt  }
0x5c: {  	_ =	shalt  }
0x5d: {  	_ =	shalt  }
0x5e: {  	_ =	shalt  }
0x5f: {  	_ =	shalt  }
0x60: {  	_ =	shalt  }
0x61: {  	_ =	shalt  }
0x62: {  	_ =	shalt  }
0x63: {  	_ =	shalt  }
0x64: {  	_ =	shalt  }
0x65: {  	_ =	shalt  }
0x66: {  	_ =	shalt  }
0x67: {  	_ =	shalt  }
0x68: {  	_ =	shalt  }
0x69: {  	_ =	shalt  }
0x6a: {  	_ =	shalt  }
0x6b: {  	_ =	shalt  }
0x6c: {  	_ =	shalt  }
0x6d: {  	_ =	shalt  }
0x6e: {  	_ =	shalt  }
0x6f: {  	_ =	shalt  }
0x70: {  	_ =	shalt  }
0x71: {  	_ =	shalt  }
0x72: {  	_ =	shalt  }
0x73: {  	_ =	shalt  }
0x74: {  	_ =	shalt  }
0x75: {  	_ =	shalt  }
0x76: {  	_ =	shalt  }
0x77: {  	_ =	shalt  }
0x78: {  	_ =	shalt  }
0x79: {  	_ =	shalt  }
0x7a: {  	_ =	shalt  }
0x7b: {  	_ =	shalt  }
0x7c: {  	_ =	shalt  }
0x7d: {  	_ =	shalt  }
0x7e: {  	_ =	shalt  }
0x7f: {  	_ =	shalt  }
0x80: {  	_ =	shalt  }
0x81: {  	_ =	shalt  }
0x82: {  	_ =	shalt  }
0x83: {  	_ =	shalt  }
0x84: {  	_ =	shalt  }
0x85: {  	_ =	shalt  }
0x86: {  	_ =	shalt  }
0x87: {  	_ =	shalt  }
.Lfunc_end0:
.L_simem_size_0:
called_computation_lowered:
.L_overlay_start_0:
0x88: {  	s2 =	sld [smem:$0x3FD9]  }
0x89: {  	s3 =	sld [smem:$0x3FFE];
	_ =	sdelay $0x1  }
0x8a: {  	s1 =	srdreg.scid  }
0x8b: {  	s0 =	sand.u32 $0x1, s1  }
0x8c: {  	s15 =	sshll.u32 s0, $0xA;
	s2 =	sadd.s32 s3, s2  }
0x8d: {  	s2 =	sadd.s32 s2, s15  }
0x8e: {  	[smem:$0x3FC1] =	sst s2  }
0x8f: {  	_ = 	snop  }
0x90: {  	s2 =	sld [smem:$0x3FD0];
	_ =	sdelay $0x2  }
0x91: {  	s16 =	simm.s32 $0xB;
	s4 =	simm.s32 $0x10  }
0x92: {  	[smem:s4], [sflag:s16] =	dma.local [hbm:s2], $0x1  }
0x93: {  	_ =	swait.eq [sflag:s16], $0x1  }
0x94: {  	[sflag:s16] =	ssyncset.done $0x0  }
0x95: {  	[sflag:s16] =	ssyncadd.s32 $0xFFFFFFFF  }
0x96: {  	s17 =	sld [smem:$0x10];
	(tm) =	ssettm $0x1  }
0x97: {  	s18 =	sld [smem:$0x3FFB];
	_ =	sdelay $0x3  }
0x98: {  	_ =	strace s18  }
0x99: {  	s2 =	sld [smem:$0x3FFC];
	_ =	sdelay $0x3  }
0x9a: {  	_ =	strace s2  }
0x9b: {  	s2 =	sld [smem:$0x3FFD];
	_ =	sdelay $0x3  }
0x9c: {  	_ =	strace s2  }
0x9d: {  	_ =	strace $0x8FFFFFFF  }
0x9e: {  	s19 =	sld [smem:$0x3FDB];
	_ =	sdelay $0x1  }
0x9f: {  	s20 =	simm.s32 $_scs_section_size  }
0xa0: {  	s5 =	simm.s32 $_size__tile_overlayer_lowered;
	s6 =	simm.s32 $_tile_overlayer_lowered  }
0xa1: {  	s7 =	simm.s32 $0x1BFF;
	s21 =	sshll.u32 s6, $0x1;
	s4 =	sadd.s32 s20, s19  }
0xa2: {  	s22 =	simm.s32 $0x0;
	s5 =	sshll.u32 s5, $0x1;
	s6 =	sadd.s32 s21, s4  }
0xa3: {  	[timem:s22], [sflag:s7] =	dma.local [hbm:s6], s5  }
0xa4: {  	_ =	swait.ge [sflag:s7], s5  }
0xa5: {  	s5 =	ssub.s32 $0x0, s5;
	[sflag:s7] =	ssyncset.done $0x0  }
0xa6: {  	[sflag:s7] =	ssyncadd.s32 s5;
	_ =	sdelay $0x1  }
0xa7: {  	s23 =	simm.s32 $0x1B8B  }
0xa8: {  	_ =	swait.ge [sflag:s23], $0x1  }
0xa9: {  	[sflag:s23] =	ssyncset.done $0x0  }
0xaa: {  	[sflag:s23] =	ssyncadd.s32 $0xFFFFFFFF  }
0xab: {  	s5 =	sld [smem:$0x0]  }
0xac: {  	s6 =	sand.u32 $0xFFFFFFFE, s1  }
0xad: {  	p0 =	sne.s32 s1, s6  }
0xae: {  	s6 =	sshll.u32 @p0 s6, $0xE  }
0xaf: {  	s6 =	sadd.s32 @p0 $0x11B8D, s6;
	s7 =	sshll.u32 @p0 s5, $0x11  }
0xb0: {  	s6 =	sor.u32 @p0 s7, s6  }
0xb1: {  	[sflag:s6] =	ssyncadd.remote.s32 @p0 $0x1;
	_ =	sdelay $0x1  }
0xb2: {  	s6 =	simm.s32 @p0 $0x1B8D  }
0xb3: {  	_ =	swait.eq @p0 [sflag:s6], $0x1  }
0xb4: {  	[sflag:s6] =	ssyncadd.s32 @p0 $0xFFFFFFFF  }
0xb5: {  	s7 =	sshll.u32 @!p0 s1, $0xE  }
0xb6: {  	s7 =	sor.u32 @!p0 $0x4000, s7;
	s6 =	simm.s32 @!p0 $0x1B8D  }
0xb7: {  	s5 =	sshll.u32 @!p0 s5, $0x11;
	s7 =	sadd.s32 @!p0 $0x11B8D, s7;
	_ =	swait.eq @!p0 [sflag:s6], $0x1  }
0xb8: {  	s5 =	sor.u32 @!p0 s5, s7;
	[sflag:s6] =	ssyncadd.s32 @!p0 $0xFFFFFFFF  }
0xb9: {  	s25 =	simm.s32 $0x1B8E;
	s24 =	sld [smem:$0x3FFE];
	[sflag:s5] =	ssyncadd.remote.s32 @!p0 $0x1  }
0xba: {  	s26 =	simm.s32 $execute0_lowered;
	[smem:$0x3FD2] =	sst s25  }
0xbb: {  	s6 =	sshll.u32 s26, $0x1;
	_ =	strace $0x80000049;
	[dreg:$0x1] =	wrdreg $0xFFFFFFFF  }
0xbc: {  	s28 =	simm.s32 $_size_execute0_lowered;
	s4 =	sadd.s32 s4, s6;
	[dreg:$0x0] =	wrdreg $0x0  }
0xbd: {  	s6 =	sshll.u32 s28, $0x1;
	[dreg:$0x2] =	wrdreg s4  }
0xbe: {  	[dreg:$0x3] =	wrdreg s6  }
0xbf: {  	[dreg:$0x4] =	wrdreg $0xC0  }
0xc0: {  	_ =	task [dreg:s22], $0x5FFFF  }
0xc1: {  	[dreg:$0x1] =	wrdreg $0xFFFFFFFF  }
0xc2: {  	[dreg:$0x0] =	wrdreg $0x60  }
0xc3: {  	[dreg:$0x2] =	wrdreg s17  }
0xc4: {  	[dreg:$0x3] =	wrdreg s24  }
0xc5: {  	[dreg:$0x4] =	wrdreg $0x9  }
0xc6: {  	_ =	task.clear_ibuf [dreg:s22], $0x5FFFF;
	_ =	strace $0x90000049  }
0xc7: {  	s29 =	simm.s32 $0x9;
	_ =	strace $0x8000004B  }
0xc8: {  	_ =	swait.ge [sflag:s29], $0x1  }
0xc9: {  	[sflag:s29] =	ssyncadd.s32 $0xFFFFFFFF  }
0xca: {  	_ =	strace $0x9000004B  }
0xcb: {  	_ =	sfence  }
0xcc: {  	s30 =	sld [smem:$0x0];
	_ =	sdelay $0x2  }
0xcd: {  	s31 =	sshll.u32 s1, $0xD;
	s1 =	sshrl.u32 s1, $0x2  }
0xce: {  	s4 =	sand.u32 $0x4000, s31;
	s1 =	sadd.s32 s1, s30  }
0xcf: {  	s0 =	sor.u32 s4, s0;
	s1 =	sshll.u32 s1, $0x11  }
0xd0: {  	s0 =	sor.u32 s1, s0  }
0xd1: {  	s0 =	sadd.s32 $0x8F2B, s0  }
0xd2: {  	[sflag:s0] =	ssyncadd.remote.s32 $0x1  }
0xd3: {  	_ =	sfence.sel $0xFFFF  }
0xd4: {  	[dreg:$0x0] =	wrdreg $0xFFFFFFFF;
	(pc) =	sbr.abs _section_cstart, $3  }
0xd5: {  	[dreg:$0x1] =	wrdreg $0xFFFFFFFF  }
0xd6: {  	_ =	task.clear_ibuf [dreg:s22], $0x2FFFF;
	_ =	strace $0x9FFFFFFF  }
0xd7: {  	(tm) =	ssettm $0x7FFFFFFF  }
tec
execute0_lowered:
.L_overlay_start_1:
0x0: {  	(tag) =	ssettag $0x1  }
0x1: {  	s1 =	rddreg [dreg:$0x0]  }
0x2: {  	s4 =	rddreg [dreg:$0x1]  }
0x3: {  	s0 =	rddreg [dreg:$0x2];
	s5 =	srdreg.scid  }
0x4: {  	s3 =	simm.s32 $0x0;
	s2 =	stileid.u32;
	s10 =	simm.s32 $0x0  }
0x5: {  	s5 =	sand.u32 $0x1, s5;
	[smem:$0x7FF] =	sst s3;
	s6 =	sshll.u32 s2, $0xE  }
0x6: {  	s8 =	sshll.u32 s2, $0x12;
	s7 =	sshll.u32 s5, $0xD;
	_ =	strace $0x8000004A  }
0x7: {  	s31 =	ssub.s32 $0x2, s5;
	s8 =	sadd.s32 s8, s4;
	s5 =	sshll.u32 s5, $0x11  }
0x8: {  	s6 =	sor.u32 s7, s6;
	s9 =	sshrl.u32 s31, $0x1;
	s5 =	sadd.s32 s5, s8  }
0x9: {  	s8 =	simm.s32 $0x200;
	s6 =	sshrl.u32 s6, $0x3;
	s7 =	ssub.s32 s31, s9  }
0xa: {  	s5 =	sadd.s32 $0x432800, s5;
	s9 =	simm.s32 $0x1;
	s6 =	sadd.s32 s6, s4  }
0xb: {  	s4 =	smax.u32 s7, $0x1;
	s7 =	simm.s32 $0x2;
	s6 =	sadd.s32 $0x22800, s6  }
.LBB2_1:
0xc: {  	s11 =	sadd.s32 $0x0, s6  }
0xd: {  	[tilespmem:s3], [sflag:$0x2] =	stream.linear.gather [hbm4b:s11+s3], $0x200, $0x38;
	[tilespmem:$0x10200] =	vst v63  }
0xe: {  	_ =	swait.ge [sflag:s7], $0x200  }
0xf: {  	[sflag:s7] =	ssyncset.done $0x0  }
0x10: {  	[sflag:s7] =	ssyncadd.s32 $0xFFFFFE00  }
0x11: {  	[tilespmem:s8], [sflag:$0x1] =	stream.indirect.gather [hbm4b:s1+s8], $0x80, s3, s8, $0xb8;
	[tilespmem:$0x10200] =	vst v63  }
0x12: {  	_ =	swait.ge [sflag:s9], $0x10000  }
0x13: {  	[sflag:s9] =	ssyncset.done $0x0  }
0x14: {  	[sflag:s9] =	ssyncadd.s32 $0xFFFF0000  }
0x15: {  	[hbm4b:s5+s3] =	stream.linear.scatter [tilespmem:s8], [sflag:$0x2], $0x10000, $0x38;
	[tilespmem:$0x10200] =	vst v63  }
0x16: {  	s12 =	simm.s32 $0x40;
	_ =	swait.ge [sflag:s7], $0x10000  }
0x17: {  	s13 =	simm.s32 $0x80;
	s11 =	sadd.s32 $0x2000, s5;
	[sflag:s7] =	ssyncset.done $0x0  }
.LBB2_2:
0x18: {  	s14 =	sadd.s32 s12, s6  }
0x19: {  	[sflag:s7] =	ssyncadd.s32 $0xFFFF0000;
	s12 =	smov.u32 s13;
	s15 =	sadd.s32 $0x40, s13  }
0x1a: {  	[tilespmem:s3], [sflag:$0x2] =	stream.linear.gather [hbm4b:s14+s3], $0x200, $0x38;
	[tilespmem:$0x10200] =	vst v63  }
0x1b: {  	p0 =	sne.s32 s13, $0x3C0;
	_ =	swait.ge [sflag:s7], $0x200  }
0x1c: {  	[sflag:s7] =	ssyncset.done $0x0  }
0x1d: {  	[sflag:s7] =	ssyncadd.s32 $0xFFFFFE00  }
0x1e: {  	[tilespmem:s8], [sflag:$0x1] =	stream.indirect.gather [hbm4b:s1+s8], $0x80, s3, s8, $0xb8;
	[tilespmem:$0x10200] =	vst v63  }
0x1f: {  	_ =	swait.ge [sflag:s9], $0x10000  }
.Ltmp0:
0x20: {  	[sflag:s9] =	ssyncset.done $0x0;
	(pc) =	sbr.rel @p0 .LBB2_2-.Ltmp0, $4  }
0x21: {  	[sflag:s9] =	ssyncadd.s32 $0xFFFF0000  }
0x22: {  	[hbm4b:s11+s3] =	stream.linear.scatter [tilespmem:s8], [sflag:$0x2], $0x10000, $0x38;
	[tilespmem:$0x10200] =	vst v63  }
0x23: {  	_ =	swait.ge [sflag:s7], $0x10000  }
0x24: {  	s13 =	smov.u32 s15;
	s11 =	sadd.s32 $0x2000, s11;
	[sflag:s7] =	ssyncset.done $0x0  }
0x25: {  	s12 =	sadd.s32 s12, s6;
	[sflag:s7] =	ssyncadd.s32 $0xFFFF0000  }
0x26: {  	[tilespmem:s3], [sflag:$0x2] =	stream.linear.gather [hbm4b:s12+s3], $0x200, $0x38;
	[tilespmem:$0x10200] =	vst v63  }
0x27: {  	_ =	swait.ge [sflag:s7], $0x200  }
0x28: {  	[sflag:s7] =	ssyncset.done $0x0  }
0x29: {  	[sflag:s7] =	ssyncadd.s32 $0xFFFFFE00  }
0x2a: {  	[tilespmem:s8], [sflag:$0x1] =	stream.indirect.gather [hbm4b:s1+s8], $0x80, s3, s8, $0xb8;
	[tilespmem:$0x10200] =	vst v63  }
0x2b: {  	s10 =	sadd.s32 $0x1, s10;
	_ =	swait.ge [sflag:s9], $0x10000  }
0x2c: {  	p0 =	sne.s32 s10, s4;
	[sflag:s9] =	ssyncset.done $0x0  }
.Ltmp1:
0x2d: {  	[sflag:s9] =	ssyncadd.s32 $0xFFFF0000;
	(pc) =	sbr.rel @p0 .LBB2_1-.Ltmp1, $4  }
0x2e: {  	[hbm4b:s11+s3] =	stream.linear.scatter [tilespmem:s8], [sflag:$0x2], $0x10000, $0x38;
	[tilespmem:$0x10200] =	vst v63  }
0x2f: {  	_ =	swait.ge [sflag:s7], $0x10000  }
0x30: {  	[sflag:s7] =	ssyncset.done $0x0  }
0x31: {  	[sflag:s7] =	ssyncadd.s32 $0xFFFF0000  }
0x32: {  	_ =	sfence.sel $0x180000  }
0x33: {  	[bflag:$0x0] =	sbarrier.arrive $0xFFFF  }
0x34: {  	p0 =	sne.s32 s2, $0x0;
	_ =	strace $0x9000004A  }
0x35: {  	s0 =	sadd.s32 @!p0 $0x100000, s0;
	[bflag:$0x2] =	sbarrier.arrive $0xFFFF  }
0x36: {  	[sflag:s0] =	ssyncadd.tile.s32 @!p0 $0x1;
	_ =	shalt  }
.Lfunc_end2:
_tile_overlayer_lowered:
.L_overlay_start_2:
0x37: {  	(tag) =	ssettag $0x2  }
0x38: {  	s0 =	rddreg [dreg:$0x0];
	s2 =	stileid.u32  }
0x39: {  	s1 =	rddreg [dreg:$0x1];
	p0 =	sne.s32 s2, $0x0  }
0x3a: {  	s3 =	rddreg [dreg:$0x2];
	[bflag:$0x3] =	sbarrier.arrive $0xFFFF;
	s2 =	simm.s32 @!p0 $0x1C02  }
0x3b: {  	[timem:s3], [sflag:s2] =	dma.local @!p0 [hbm:s0], s1  }
0x3c: {  	s0 =	simm.s32 @!p0 $0x2  }
0x3d: {  	_ =	swait.ge @!p0 [sflag:s0], s1  }
0x3e: {  	s1 =	ssub.s32 @!p0 $0x0, s1;
	[sflag:s0] =	ssyncset.done @!p0 $0x0  }
0x3f: {  	[sflag:s0] =	ssyncadd.s32 @!p0 s1  }
0x40: {  	[bflag:$0x3] =	sbarrier.arrive $0xFFFF  }
0x41: {  	_ =	shalt  }

</sc_bundles>
